<compile_context>
chip_gen: v7x
topology: tpu7x:2x2x1
jax: 0.10.2.dev20260603
libtpu: 0.0.44.dev20260713+nightly
codegen_flags: <defaults>
</compile_context>

<pallas_src>
import functools

import jax
import jax.numpy as jnp
from jax import lax
from jax.experimental import pallas as pl
from jax.experimental.pallas import tpu as pltpu
from jax.experimental.pallas import tpu_sc as plsc

DIM = 1024
INTER = 512
N_EXPERTS = 8
N_SHARED = 2
T = 2048
TB = 512
S_INTER = INTER * N_SHARED
B = 256
NB = (2 * T) // B + N_EXPERTS
NPAD = NB * B
NC = 2
NS = 16
NW = NC * NS


def _sc_mesh():
    return plsc.VectorSubcoreMesh(
        core_axis_name="c", subcore_axis_name="s", num_cores=NC,
        num_subcores=NS)


def _wid():
    return lax.axis_index("s") * NC + lax.axis_index("c")


def _gate_meta_body(x_ref, gw_ref, p1_ref, p2_ref, wa_ref, wb_ref,
                    eid_ref, nu_ref):
    x = x_ref[...]
    lg = lax.dot_general(gw_ref[...], x, (((1,), (1,)), ((), ())),
                         preferred_element_type=jnp.float32)
    s = jax.nn.sigmoid(lg)
    io8 = lax.broadcasted_iota(jnp.int32, (N_EXPERTS, T), 0)
    m1 = jnp.max(s, axis=0, keepdims=True)
    i1 = jnp.min(jnp.where(s == m1, io8, N_EXPERTS), axis=0, keepdims=True)
    s2 = jnp.where(io8 == i1, -jnp.inf, s)
    m2 = jnp.max(s2, axis=0, keepdims=True)
    i2 = jnp.min(jnp.where(s2 == m2, io8, N_EXPERTS), axis=0, keepdims=True)
    den = m1 + m2
    wa_ref[...] = jnp.reshape(m1 / den, (T,))
    wb_ref[...] = jnp.reshape(m2 / den, (T,))
    sel1 = io8 == i1
    sel2 = io8 == i2
    selm = jnp.where(sel1 | sel2, 1.0, 0.0)
    r = lax.broadcasted_iota(jnp.int32, (T, T), 0)
    c = lax.broadcasted_iota(jnp.int32, (T, T), 1)
    triu = jnp.where(r <= c, 1.0, 0.0)
    csum = lax.dot_general(selm, triu, (((1,), (0,)), ((), ())),
                           preferred_element_type=jnp.float32)
    cnt = csum[:, T - 1:T]
    nblk = jnp.floor((cnt + (B - 1)) * (1.0 / B))
    r8 = lax.broadcasted_iota(jnp.int32, (N_EXPERTS, N_EXPERTS), 0)
    c8 = lax.broadcasted_iota(jnp.int32, (N_EXPERTS, N_EXPERTS), 1)
    strict = jnp.where(r8 > c8, 1.0, 0.0)
    blkbase = lax.dot_general(strict, nblk, (((1,), (0,)), ((), ())),
                              preferred_element_type=jnp.float32)
    pos = blkbase * float(B) + csum - 1.0
    p1 = jnp.sum(jnp.where(sel1, pos, 0.0), axis=0, keepdims=True)
    p2 = jnp.sum(jnp.where(sel2, pos, 0.0), axis=0, keepdims=True)
    p1_ref[...] = jnp.reshape(p1, (T,)).astype(jnp.int32)
    p2_ref[...] = jnp.reshape(p2, (T,)).astype(jnp.int32)
    ii = lax.broadcasted_iota(jnp.int32, (1, 128), 1).astype(jnp.float32)
    acc = jnp.full((1, 128), -1.0, jnp.float32)
    for e in range(N_EXPERTS):
        acc = acc + jnp.where(blkbase[e:e + 1, 0:1] <= ii, 1.0, 0.0)
    eid_ref[...] = jnp.reshape(acc, (128,)).astype(jnp.int32)
    nu = jnp.sum(nblk, axis=0, keepdims=True)
    nu_ref[...] = jnp.reshape(nu, (1,)).astype(jnp.int32)


def _gate_meta(xf, gate_w):
    return pl.pallas_call(
        _gate_meta_body,
        grid=(1,),
        in_specs=[
            pl.BlockSpec((T, DIM), lambda i: (0, 0)),
            pl.BlockSpec((N_EXPERTS, DIM), lambda i: (0, 0)),
        ],
        out_specs=[
            pl.BlockSpec((T,), lambda i: (0,)),
            pl.BlockSpec((T,), lambda i: (0,)),
            pl.BlockSpec((T,), lambda i: (0,)),
            pl.BlockSpec((T,), lambda i: (0,)),
            pl.BlockSpec((128,), lambda i: (0,)),
            pl.BlockSpec((1,), lambda i: (0,)),
        ],
        out_shape=[
            jax.ShapeDtypeStruct((T,), jnp.int32),
            jax.ShapeDtypeStruct((T,), jnp.int32),
            jax.ShapeDtypeStruct((T,), jnp.float32),
            jax.ShapeDtypeStruct((T,), jnp.float32),
            jax.ShapeDtypeStruct((128,), jnp.int32),
            jax.ShapeDtypeStruct((1,), jnp.int32),
        ],
    )(xf, gate_w)


def _shared_body(x_ref, sw1_ref, sw2_ref, sw3_ref, ys_ref, xb_ref):
    xb = x_ref[...].astype(jnp.bfloat16)
    xb_ref[...] = xb
    w1 = sw1_ref[...].astype(jnp.bfloat16)
    w2 = sw2_ref[...].astype(jnp.bfloat16)
    w3 = sw3_ref[...].astype(jnp.bfloat16)
    h1 = lax.dot_general(xb, w1, (((1,), (1,)), ((), ())),
                         preferred_element_type=jnp.float32)
    h3 = lax.dot_general(xb, w3, (((1,), (1,)), ((), ())),
                         preferred_element_type=jnp.float32)
    h = (h1 * jax.nn.sigmoid(h1) * h3).astype(jnp.bfloat16)
    ys_ref[...] = lax.dot_general(h, w2, (((1,), (1,)), ((), ())),
                                  preferred_element_type=jnp.float32)


def _shared(xf, sw1, sw2, sw3):
    nb = T // TB
    return pl.pallas_call(
        _shared_body,
        grid=(nb,),
        in_specs=[
            pl.BlockSpec((TB, DIM), lambda i: (i, 0)),
            pl.BlockSpec((S_INTER, DIM), lambda i: (0, 0)),
            pl.BlockSpec((DIM, S_INTER), lambda i: (0, 0)),
            pl.BlockSpec((S_INTER, DIM), lambda i: (0, 0)),
        ],
        out_specs=[
            pl.BlockSpec((TB, DIM), lambda i: (i, 0)),
            pl.BlockSpec((TB, DIM), lambda i: (i, 0)),
        ],
        out_shape=[
            jax.ShapeDtypeStruct((T, DIM), jnp.float32),
            jax.ShapeDtypeStruct((T, DIM), jnp.bfloat16),
        ],
    )(xf, sw1, sw2, sw3)


def _sc_scatter_routing(pos1, pos2, wa, wb):
    def body(p1_hbm, p2_hbm, wa_hbm, wb_hbm, tok_hbm, wrow_hbm,
             tok_v, wrow_v, pos_v, w_v):
        @pl.when(_wid() == 0)
        def _():
            def init(i, carry):
                tok_v[pl.ds(i * 16, 16)] = jnp.zeros((16,), jnp.int32)
                wrow_v[pl.ds(i * 16, 16)] = jnp.zeros((16,), jnp.float32)
                return carry
            lax.fori_loop(0, NPAD // 16, init, 0)
            for p_hbm, wx_hbm in ((p1_hbm, wa_hbm), (p2_hbm, wb_hbm)):
                pltpu.sync_copy(p_hbm, pos_v)
                pltpu.sync_copy(wx_hbm, w_v)

                def step(i, carry):
                    idx = pos_v[pl.ds(i * 16, 16)]
                    tvals = lax.iota(jnp.int32, 16) + i * 16
                    plsc.store_scatter(tok_v, [idx], tvals)
                    wv = w_v[pl.ds(i * 16, 16)]
                    plsc.store_scatter(wrow_v, [idx], wv)
                    return carry
                lax.fori_loop(0, T // 16, step, 0)
            pltpu.sync_copy(tok_v, tok_hbm)
            pltpu.sync_copy(wrow_v, wrow_hbm)

    fn = pl.kernel(
        body,
        out_type=[
            jax.ShapeDtypeStruct((NPAD,), jnp.int32),
            jax.ShapeDtypeStruct((NPAD,), jnp.float32),
        ],
        mesh=_sc_mesh(),
        scratch_types=[
            pltpu.VMEM((NPAD,), jnp.int32),
            pltpu.VMEM((NPAD,), jnp.float32),
            pltpu.VMEM((T,), jnp.int32),
            pltpu.VMEM((T,), jnp.float32),
        ],
        compiler_params=pltpu.CompilerParams(needs_layout_passes=False),
    )
    return fn(pos1, pos2, wa, wb)


def _gemm_body(eid_ref, nu_ref, tok_ref, wrow_ref, xb_ref, ys_ref,
               ew1_ref, ew2_ref, ew3_ref, o_ref):
    i = pl.program_id(0)

    @pl.when(i == 0)
    def _():
        o_ref[...] = ys_ref[...]

    @pl.when(i < nu_ref[0])
    def _():
        tok = jnp.reshape(tok_ref[...], (1, B))
        wrow = jnp.reshape(wrow_ref[...], (1, B))
        tio = lax.broadcasted_iota(jnp.int32, (T, B), 0)
        ohm = tio == tok
        oh = ohm.astype(jnp.bfloat16)
        ohw = jnp.where(ohm, wrow, 0.0).astype(jnp.bfloat16)
        xg = lax.dot_general(oh, xb_ref[...], (((0,), (0,)), ((), ())),
                             preferred_element_type=jnp.float32
                             ).astype(jnp.bfloat16)
        w1 = ew1_ref[0].astype(jnp.bfloat16)
        w2 = ew2_ref[0].astype(jnp.bfloat16)
        w3 = ew3_ref[0].astype(jnp.bfloat16)
        h1 = lax.dot_general(xg, w1, (((1,), (1,)), ((), ())),
                             preferred_element_type=jnp.float32)
        h3 = lax.dot_general(xg, w3, (((1,), (1,)), ((), ())),
                             preferred_element_type=jnp.float32)
        h = (h1 * jax.nn.sigmoid(h1) * h3).astype(jnp.bfloat16)
        y = lax.dot_general(h, w2, (((1,), (1,)), ((), ())),
                            preferred_element_type=jnp.float32
                            ).astype(jnp.bfloat16)
        o_ref[...] += lax.dot_general(ohw, y, (((1,), (0,)), ((), ())),
                                      preferred_element_type=jnp.float32)


def _gemm(eid, nused, tok, wrow, xb, ys, ew1, ew2, ew3):
    return pl.pallas_call(
        _gemm_body,
        grid_spec=pltpu.PrefetchScalarGridSpec(
            num_scalar_prefetch=2,
            grid=(NB,),
            in_specs=[
                pl.BlockSpec((B,), lambda i, eid, nu: (i,)),
                pl.BlockSpec((B,), lambda i, eid, nu: (i,)),
                pl.BlockSpec((T, DIM), lambda i, eid, nu: (0, 0)),
                pl.BlockSpec((T, DIM), lambda i, eid, nu: (0, 0)),
                pl.BlockSpec((1, INTER, DIM), lambda i, eid, nu: (eid[i], 0, 0)),
                pl.BlockSpec((1, DIM, INTER), lambda i, eid, nu: (eid[i], 0, 0)),
                pl.BlockSpec((1, INTER, DIM), lambda i, eid, nu: (eid[i], 0, 0)),
            ],
            out_specs=pl.BlockSpec((T, DIM), lambda i, eid, nu: (0, 0)),
        ),
        out_shape=jax.ShapeDtypeStruct((T, DIM), jnp.float32),
    )(eid, nused, tok, wrow, xb, ys, ew1, ew2, ew3)


def kernel(x, gate_w, ew1, ew2, ew3, sw1, sw2, sw3):
    shape = x.shape
    xf = x.reshape(-1, DIM)

    pos1, pos2, wa, wb, eid, nused = _gate_meta(xf, gate_w)
    tok, wrow = _sc_scatter_routing(pos1, pos2, wa, wb)
    ys, xb = _shared(xf, sw1, sw2, sw3)
    y = _gemm(eid, nused, tok, wrow, xb, ys, ew1, ew2, ew3)
    return y.reshape(shape)

# --- scband reference (transcript-rebuilt; emitter-appended) ---
"""Pipeline reference for scband-mo-e-7241314861588 (READ-ONLY COPY).

The authoritative reference and input builder live on the scoring server;
editing this copy changes nothing except your own understanding.
"""

import jax, jax.numpy as jnp
import numpy as np

DIM = 1024
INTER = 512
N_EXPERTS = 8
TOP_K = 2
N_SHARED = 2


def _mlp(x, w1, w2, w3):
    # x: [T, dim]; w1, w3: [inter, dim]; w2: [dim, inter]
    h = jax.nn.silu(x @ w1.T) * (x @ w3.T)
    return h @ w2.T


def setup_inputs(seed: int = 0) -> dict:
    key = jax.random.key(seed)
    ks = jax.random.split(key, 8)
    x = jax.random.normal(ks[0], (1, 2048, DIM), dtype=jnp.float32)
    gate_w = jax.random.normal(ks[1], (N_EXPERTS, DIM), dtype=jnp.float32) * (DIM ** -0.5)
    ew1 = jax.random.normal(ks[2], (N_EXPERTS, INTER, DIM), dtype=jnp.float32) * (DIM ** -0.5)
    ew2 = jax.random.normal(ks[3], (N_EXPERTS, DIM, INTER), dtype=jnp.float32) * (INTER ** -0.5)
    ew3 = jax.random.normal(ks[4], (N_EXPERTS, INTER, DIM), dtype=jnp.float32) * (DIM ** -0.5)
    s_inter = INTER * N_SHARED
    sw1 = jax.random.normal(ks[5], (s_inter, DIM), dtype=jnp.float32) * (DIM ** -0.5)
    sw2 = jax.random.normal(ks[6], (DIM, s_inter), dtype=jnp.float32) * (s_inter ** -0.5)
    sw3 = jax.random.normal(ks[7], (s_inter, DIM), dtype=jnp.float32) * (DIM ** -0.5)
    return {"x": x, "gate_w": gate_w, "ew1": ew1, "ew2": ew2, "ew3": ew3, "sw1": sw1, "sw2": sw2, "sw3": sw3}


def reference(x, gate_w, ew1, ew2, ew3, sw1, sw2, sw3):
    shape = x.shape
    xf = x.reshape(-1, DIM)
    # Gate: sigmoid scores -> top-k -> renormalize
    logits = xf @ gate_w.T
    scores = jax.nn.sigmoid(logits)
    topv, topi = jax.lax.top_k(scores, TOP_K)
    weights = topv / jnp.sum(topv, axis=-1, keepdims=True)  # [T, top_k]
    # Shared experts
    y = _mlp(xf, sw1, sw2, sw3)
    # Routed experts: dense-equivalent dispatch (zero weight for unselected tokens)
    for i in range(N_EXPERTS):
        wi = jnp.sum(jnp.where(topi == i, weights, 0.0), axis=-1)  # [T]
        y = y + _mlp(xf, ew1[i], ew2[i], ew3[i]) * wi[:, None]
    return y.reshape(shape)

if __name__ == "__main__":
    import jax
    _d = setup_inputs()
    print(jax.jit(kernel)(*tuple(_d.values())))

</pallas_src>

<mosaic_0001>
#map = affine_map<(d0, d1) -> (0)>
module attributes {stable_mosaic.version = 14 : i64} {
  func.func @body(%arg0: i32, %arg1: i32, %arg2: memref<2048xi32, #tpu.memory_space<hbm>>, %arg3: memref<2048xi32, #tpu.memory_space<hbm>>, %arg4: memref<2048xf32, #tpu.memory_space<hbm>>, %arg5: memref<2048xf32, #tpu.memory_space<hbm>>, %arg6: memref<6144xi32, #tpu.memory_space<hbm>>, %arg7: memref<6144xf32, #tpu.memory_space<hbm>>, %arg8: memref<6144xi32, #tpu.memory_space<vmem>>, %arg9: memref<6144xf32, #tpu.memory_space<vmem>>, %arg10: memref<2048xi32, #tpu.memory_space<vmem>>, %arg11: memref<2048xf32, #tpu.memory_space<vmem>>) attributes {dimension_semantics = [#tpu.dimension_semantics<core_parallel>, #tpu.dimension_semantics<subcore_parallel>], iteration_bounds = array<i64: 2, 16>, scalar_prefetch = 0 : i64, scratch_operands = 4 : i64, tpu.core_type = #tpu.core_type<sc_vector_subcore>, window_params = [{transform_indices = #map}, {transform_indices = #map}, {transform_indices = #map}, {transform_indices = #map}, {transform_indices = #map}, {transform_indices = #map}]} {
    %mul3A = arith.constant 2 : i32
    %mul3A_0 = arith.muli %arg1, %mul3A : i32
    %add3A = arith.addi %mul3A_0, %arg0 : i32
    %eq3A = arith.constant 0 : i32
    %eq3A_1 = arith.cmpi eq, %add3A, %eq3A : i32
    %convert_element_type3A = arith.extui %eq3A_1 : i1 to i32
    %cond3A = arith.constant 0 : i32
    %cond3A_2 = arith.cmpi ne, %convert_element_type3A, %cond3A : i32
    scf.if %cond3A_2 {
      %scan3A = arith.constant 0 : i32
      %scan3A_3 = arith.constant 0 : i32
      %scan3A_4 = arith.constant 384 : i32
      %scan3A_5 = arith.addi %scan3A_3, %scan3A_4 : i32
      %scan3A_6 = arith.constant 1 : i32
      scf.for %scan3A_20 = %scan3A_3 to %scan3A_5 step %scan3A_6  : i32 {
        %broadcast_in_dim3A = arith.constant 0 : i32
        %broadcast_in_dim3A_21 = vector.broadcast %broadcast_in_dim3A : i32 to vector<16xi32>
        %mul3A_22 = arith.constant 16 : i32
        %mul3A_23 = arith.muli %scan3A_20, %mul3A_22 : i32
        %swap3A = arith.index_cast %mul3A_23 : i32 to index
        %swap3A_24 = tpu.vector_load %arg8[%swap3A] {strides = array<i32>} : memref<6144xi32, #tpu.memory_space<vmem>>, vector<16xi32>,
        tpu.vector_store %arg8[%swap3A], %broadcast_in_dim3A_21 {strides = array<i32>} : memref<6144xi32, #tpu.memory_space<vmem>>, vector<16xi32>,
        %broadcast_in_dim3A_25 = arith.constant 0.000000e+00 : f32
        %broadcast_in_dim3A_26 = vector.broadcast %broadcast_in_dim3A_25 : f32 to vector<16xf32>
        %mul3A_27 = arith.constant 16 : i32
        %mul3A_28 = arith.muli %scan3A_20, %mul3A_27 : i32
        %swap3A_29 = arith.index_cast %mul3A_28 : i32 to index
        %swap3A_30 = tpu.vector_load %arg9[%swap3A_29] {strides = array<i32>} : memref<6144xf32, #tpu.memory_space<vmem>>, vector<16xf32>,
        tpu.vector_store %arg9[%swap3A_29], %broadcast_in_dim3A_26 {strides = array<i32>} : memref<6144xf32, #tpu.memory_space<vmem>>, vector<16xf32>,
      }
      %scan3A_7 = arith.constant 384 : i32
      "tpu.region"() ({
        %run_scoped3A = tpu.sem_alloc : memref<!tpu.dma_semaphore, #tpu.memory_space<semaphore_mem>>
        tpu.enqueue_dma source(%arg2 : memref<2048xi32, #tpu.memory_space<hbm>>) target(%arg10 : memref<2048xi32, #tpu.memory_space<vmem>>) target_semaphore(%run_scoped3A : memref<!tpu.dma_semaphore, #tpu.memory_space<semaphore_mem>>)
        tpu.wait_dma2 semaphore(%run_scoped3A : memref<!tpu.dma_semaphore, #tpu.memory_space<semaphore_mem>>) src(%arg2 : memref<2048xi32, #tpu.memory_space<hbm>>) dst(%arg10 : memref<2048xi32, #tpu.memory_space<vmem>>)
        tpu.yield
      }) : () -> ()
      "tpu.region"() ({
        %run_scoped3A = tpu.sem_alloc : memref<!tpu.dma_semaphore, #tpu.memory_space<semaphore_mem>>
        tpu.enqueue_dma source(%arg4 : memref<2048xf32, #tpu.memory_space<hbm>>) target(%arg11 : memref<2048xf32, #tpu.memory_space<vmem>>) target_semaphore(%run_scoped3A : memref<!tpu.dma_semaphore, #tpu.memory_space<semaphore_mem>>)
        tpu.wait_dma2 semaphore(%run_scoped3A : memref<!tpu.dma_semaphore, #tpu.memory_space<semaphore_mem>>) src(%arg4 : memref<2048xf32, #tpu.memory_space<hbm>>) dst(%arg11 : memref<2048xf32, #tpu.memory_space<vmem>>)
        tpu.yield
      }) : () -> ()
      %scan3A_8 = arith.constant 0 : i32
      %scan3A_9 = arith.constant 0 : i32
      %scan3A_10 = arith.constant 128 : i32
      %scan3A_11 = arith.addi %scan3A_9, %scan3A_10 : i32
      %scan3A_12 = arith.constant 1 : i32
      scf.for %scan3A_20 = %scan3A_9 to %scan3A_11 step %scan3A_12  : i32 {
        %mul3A_21 = arith.constant 16 : i32
        %mul3A_22 = arith.muli %scan3A_20, %mul3A_21 : i32
        %get3A = arith.index_cast %mul3A_22 : i32 to index
        %get3A_23 = tpu.vector_load %arg10[%get3A] {strides = array<i32>} : memref<2048xi32, #tpu.memory_space<vmem>>, vector<16xi32>,
        %iota3A = tpu.iota {dimensions = array<i32: 0>} : vector<16xi32>
        %mul3A_24 = arith.constant 16 : i32
        %mul3A_25 = arith.muli %scan3A_20, %mul3A_24 : i32
        %add3A_26 = vector.broadcast %mul3A_25 : i32 to vector<16xi32>
        %add3A_27 = arith.addi %iota3A, %add3A_26 : vector<16xi32>
        tpu.vector_store_idx %arg8[%get3A_23], %add3A_27 : memref<6144xi32, #tpu.memory_space<vmem>>[vector<16xi32>], vector<16xi32>,
        %mul3A_28 = arith.constant 16 : i32
        %mul3A_29 = arith.muli %scan3A_20, %mul3A_28 : i32
        %get3A_30 = arith.index_cast %mul3A_29 : i32 to index
        %get3A_31 = tpu.vector_load %arg11[%get3A_30] {strides = array<i32>} : memref<2048xf32, #tpu.memory_space<vmem>>, vector<16xf32>,
        tpu.vector_store_idx %arg9[%get3A_23], %get3A_31 : memref<6144xf32, #tpu.memory_space<vmem>>[vector<16xi32>], vector<16xf32>,
      }
      %scan3A_13 = arith.constant 128 : i32
      "tpu.region"() ({
        %run_scoped3A = tpu.sem_alloc : memref<!tpu.dma_semaphore, #tpu.memory_space<semaphore_mem>>
        tpu.enqueue_dma source(%arg3 : memref<2048xi32, #tpu.memory_space<hbm>>) target(%arg10 : memref<2048xi32, #tpu.memory_space<vmem>>) target_semaphore(%run_scoped3A : memref<!tpu.dma_semaphore, #tpu.memory_space<semaphore_mem>>)
        tpu.wait_dma2 semaphore(%run_scoped3A : memref<!tpu.dma_semaphore, #tpu.memory_space<semaphore_mem>>) src(%arg3 : memref<2048xi32, #tpu.memory_space<hbm>>) dst(%arg10 : memref<2048xi32, #tpu.memory_space<vmem>>)
        tpu.yield
      }) : () -> ()
      "tpu.region"() ({
        %run_scoped3A = tpu.sem_alloc : memref<!tpu.dma_semaphore, #tpu.memory_space<semaphore_mem>>
        tpu.enqueue_dma source(%arg5 : memref<2048xf32, #tpu.memory_space<hbm>>) target(%arg11 : memref<2048xf32, #tpu.memory_space<vmem>>) target_semaphore(%run_scoped3A : memref<!tpu.dma_semaphore, #tpu.memory_space<semaphore_mem>>)
        tpu.wait_dma2 semaphore(%run_scoped3A : memref<!tpu.dma_semaphore, #tpu.memory_space<semaphore_mem>>) src(%arg5 : memref<2048xf32, #tpu.memory_space<hbm>>) dst(%arg11 : memref<2048xf32, #tpu.memory_space<vmem>>)
        tpu.yield
      }) : () -> ()
      %scan3A_14 = arith.constant 0 : i32
      %scan3A_15 = arith.constant 0 : i32
      %scan3A_16 = arith.constant 128 : i32
      %scan3A_17 = arith.addi %scan3A_15, %scan3A_16 : i32
      %scan3A_18 = arith.constant 1 : i32
      scf.for %scan3A_20 = %scan3A_15 to %scan3A_17 step %scan3A_18  : i32 {
        %mul3A_21 = arith.constant 16 : i32
        %mul3A_22 = arith.muli %scan3A_20, %mul3A_21 : i32
        %get3A = arith.index_cast %mul3A_22 : i32 to index
        %get3A_23 = tpu.vector_load %arg10[%get3A] {strides = array<i32>} : memref<2048xi32, #tpu.memory_space<vmem>>, vector<16xi32>,
        %iota3A = tpu.iota {dimensions = array<i32: 0>} : vector<16xi32>
        %mul3A_24 = arith.constant 16 : i32
        %mul3A_25 = arith.muli %scan3A_20, %mul3A_24 : i32
        %add3A_26 = vector.broadcast %mul3A_25 : i32 to vector<16xi32>
        %add3A_27 = arith.addi %iota3A, %add3A_26 : vector<16xi32>
        tpu.vector_store_idx %arg8[%get3A_23], %add3A_27 : memref<6144xi32, #tpu.memory_space<vmem>>[vector<16xi32>], vector<16xi32>,
        %mul3A_28 = arith.constant 16 : i32
        %mul3A_29 = arith.muli %scan3A_20, %mul3A_28 : i32
        %get3A_30 = arith.index_cast %mul3A_29 : i32 to index
        %get3A_31 = tpu.vector_load %arg11[%get3A_30] {strides = array<i32>} : memref<2048xf32, #tpu.memory_space<vmem>>, vector<16xf32>,
        tpu.vector_store_idx %arg9[%get3A_23], %get3A_31 : memref<6144xf32, #tpu.memory_space<vmem>>[vector<16xi32>], vector<16xf32>,
      }
      %scan3A_19 = arith.constant 128 : i32
      "tpu.region"() ({
        %run_scoped3A = tpu.sem_alloc : memref<!tpu.dma_semaphore, #tpu.memory_space<semaphore_mem>>
        tpu.enqueue_dma source(%arg8 : memref<6144xi32, #tpu.memory_space<vmem>>) target(%arg6 : memref<6144xi32, #tpu.memory_space<hbm>>) target_semaphore(%run_scoped3A : memref<!tpu.dma_semaphore, #tpu.memory_space<semaphore_mem>>)
        tpu.wait_dma2 semaphore(%run_scoped3A : memref<!tpu.dma_semaphore, #tpu.memory_space<semaphore_mem>>) src(%arg8 : memref<6144xi32, #tpu.memory_space<vmem>>) dst(%arg6 : memref<6144xi32, #tpu.memory_space<hbm>>)
        tpu.yield
      }) : () -> ()
      "tpu.region"() ({
        %run_scoped3A = tpu.sem_alloc : memref<!tpu.dma_semaphore, #tpu.memory_space<semaphore_mem>>
        tpu.enqueue_dma source(%arg9 : memref<6144xf32, #tpu.memory_space<vmem>>) target(%arg7 : memref<6144xf32, #tpu.memory_space<hbm>>) target_semaphore(%run_scoped3A : memref<!tpu.dma_semaphore, #tpu.memory_space<semaphore_mem>>)
        tpu.wait_dma2 semaphore(%run_scoped3A : memref<!tpu.dma_semaphore, #tpu.memory_space<semaphore_mem>>) src(%arg9 : memref<6144xf32, #tpu.memory_space<vmem>>) dst(%arg7 : memref<6144xf32, #tpu.memory_space<hbm>>)
        tpu.yield
      }) : () -> ()
    } else {
    }
    return
  }
}

module attributes {stable_mosaic.version = 14 : i64} {
  func.func @_gate_meta_body(%arg0: i32, %arg1: memref<2048x1024xf32, #tpu.memory_space<vmem>>, %arg2: memref<8x1024xf32, #tpu.memory_space<vmem>>, %arg3: memref<2048xi32, #tpu.memory_space<vmem>>, %arg4: memref<2048xi32, #tpu.memory_space<vmem>>, %arg5: memref<2048xf32, #tpu.memory_space<vmem>>, %arg6: memref<2048xf32, #tpu.memory_space<vmem>>, %arg7: memref<128xi32, #tpu.memory_space<vmem>>, %arg8: memref<1xi32, #tpu.memory_space<vmem>>) attributes {dimension_semantics = [#tpu.dimension_semantics<arbitrary>], iteration_bounds = array<i64: 1>, scalar_prefetch = 0 : i64, scratch_operands = 0 : i64, tpu.core_type = #tpu.core_type<tc>, window_params = [{pipeline_mode = #tpu.pipeline_mode<synchronous>, transform_indices = @transform_0, window_bounds = array<i64: 2048, 1024>}, {pipeline_mode = #tpu.pipeline_mode<synchronous>, transform_indices = @transform_1, window_bounds = array<i64: 8, 1024>}, {pipeline_mode = #tpu.pipeline_mode<synchronous>, transform_indices = @transform_2, window_bounds = array<i64: 2048>}, {pipeline_mode = #tpu.pipeline_mode<synchronous>, transform_indices = @transform_3, window_bounds = array<i64: 2048>}, {pipeline_mode = #tpu.pipeline_mode<synchronous>, transform_indices = @transform_4, window_bounds = array<i64: 2048>}, {pipeline_mode = #tpu.pipeline_mode<synchronous>, transform_indices = @transform_5, window_bounds = array<i64: 2048>}, {pipeline_mode = #tpu.pipeline_mode<synchronous>, transform_indices = @transform_6, window_bounds = array<i64: 128>}, {pipeline_mode = #tpu.pipeline_mode<synchronous>, transform_indices = @transform_7, window_bounds = array<i64: 1>}]} {
    %get3A = arith.constant 0 : index
    %get3A_0 = arith.constant 0 : index
    %get3A_1 = vector.load %arg1[%get3A, %get3A_0] : memref<2048x1024xf32, #tpu.memory_space<vmem>>, vector<2048x1024xf32>
    %get3A_2 = arith.constant 0 : index
    %get3A_3 = arith.constant 0 : index
    %get3A_4 = vector.load %arg2[%get3A_2, %get3A_3] : memref<8x1024xf32, #tpu.memory_space<vmem>>, vector<8x1024xf32>
    %dot_general3A = arith.constant dense<0.000000e+00> : vector<8x2048xf32>
    %dot_general3A_5 = tpu.matmul %get3A_4, %get3A_1, %dot_general3A {dimension_numbers = #tpu.dot_dimension_numbers<[1], [1], [0], [0], [0, 0, 1, 0], [], []>, transpose_lhs_hint = false} : vector<8x1024xf32>, vector<2048x1024xf32>, vector<8x2048xf32> -> vector<8x2048xf32>
    %logistic3A = arith.negf %dot_general3A_5 : vector<8x2048xf32>
    %logistic3A_6 = math.exp %logistic3A : vector<8x2048xf32>
    %logistic3A_7 = arith.constant 1.000000e+00 : f32
    %logistic3A_8 = vector.broadcast %logistic3A_7 : f32 to vector<8x2048xf32>
    %logistic3A_9 = arith.addf %logistic3A_8, %logistic3A_6 : vector<8x2048xf32>
    %logistic3A_10 = arith.divf %logistic3A_8, %logistic3A_9 : vector<8x2048xf32>
    %iota3A = tpu.iota {dimensions = array<i32: 0>} : vector<8x2048xi32>
    %reduce_max3A = arith.constant dense<0xFF800000> : vector<2048xf32>
    %reduce_max3A_11 = vector.multi_reduction <maximumf>, %logistic3A_10, %reduce_max3A [0] : vector<8x2048xf32> to vector<2048xf32>
    %broadcast_in_dim3A = vector.shape_cast %reduce_max3A_11 : vector<2048xf32> to vector<1x2048xf32>
    %eq3A = vector.broadcast %broadcast_in_dim3A : vector<1x2048xf32> to vector<8x2048xf32>
    %eq3A_12 = arith.cmpf oeq, %logistic3A_10, %eq3A : vector<8x2048xf32>
    %jit3A = arith.constant 8 : i32
    %broadcast_in_dim3A_13 = vector.broadcast %jit3A : i32 to vector<8x2048xi32>
    %select_n3A = arith.select %eq3A_12, %iota3A, %broadcast_in_dim3A_13 : vector<8x2048xi1>, vector<8x2048xi32>
    %reduce_min3A = arith.constant dense<2147483647> : vector<2048xi32>
    %reduce_min3A_14 = vector.multi_reduction <minsi>, %select_n3A, %reduce_min3A [0] : vector<8x2048xi32> to vector<2048xi32>
    %broadcast_in_dim3A_15 = vector.shape_cast %reduce_min3A_14 : vector<2048xi32> to vector<1x2048xi32>
    %eq3A_16 = vector.broadcast %broadcast_in_dim3A_15 : vector<1x2048xi32> to vector<8x2048xi32>
    %eq3A_17 = arith.cmpi eq, %iota3A, %eq3A_16 : vector<8x2048xi32>
    %jit3A_18 = arith.constant 0xFF800000 : f32
    %broadcast_in_dim3A_19 = vector.broadcast %jit3A_18 : f32 to vector<8x2048xf32>
    %select_n3A_20 = arith.select %eq3A_17, %broadcast_in_dim3A_19, %logistic3A_10 : vector<8x2048xi1>, vector<8x2048xf32>
    %reduce_max3A_21 = arith.constant dense<0xFF800000> : vector<2048xf32>
    %reduce_max3A_22 = vector.multi_reduction <maximumf>, %select_n3A_20, %reduce_max3A_21 [0] : vector<8x2048xf32> to vector<2048xf32>
    %broadcast_in_dim3A_23 = vector.shape_cast %reduce_max3A_22 : vector<2048xf32> to vector<1x2048xf32>
    %eq3A_24 = vector.broadcast %broadcast_in_dim3A_23 : vector<1x2048xf32> to vector<8x2048xf32>
    %eq3A_25 = arith.cmpf oeq, %select_n3A_20, %eq3A_24 : vector<8x2048xf32>
    %jit3A_26 = arith.constant 8 : i32
    %broadcast_in_dim3A_27 = vector.broadcast %jit3A_26 : i32 to vector<8x2048xi32>
    %select_n3A_28 = arith.select %eq3A_25, %iota3A, %broadcast_in_dim3A_27 : vector<8x2048xi1>, vector<8x2048xi32>
    %reduce_min3A_29 = arith.constant dense<2147483647> : vector<2048xi32>
    %reduce_min3A_30 = vector.multi_reduction <minsi>, %select_n3A_28, %reduce_min3A_29 [0] : vector<8x2048xi32> to vector<2048xi32>
    %broadcast_in_dim3A_31 = vector.shape_cast %reduce_min3A_30 : vector<2048xi32> to vector<1x2048xi32>
    %add3A = arith.addf %broadcast_in_dim3A, %broadcast_in_dim3A_23 : vector<1x2048xf32>
    %div3A = arith.divf %broadcast_in_dim3A, %add3A : vector<1x2048xf32>
    %reshape3A = vector.shape_cast %div3A : vector<1x2048xf32> to vector<2048xf32>
    %swap3A = arith.constant 0 : index
    %swap3A_32 = vector.load %arg5[%swap3A] : memref<2048xf32, #tpu.memory_space<vmem>>, vector<2048xf32>
    tpu.vector_store %arg5[%swap3A], %reshape3A {strides = array<i32>} : memref<2048xf32, #tpu.memory_space<vmem>>, vector<2048xf32>,
    %div3A_33 = arith.divf %broadcast_in_dim3A_23, %add3A : vector<1x2048xf32>
    %reshape3A_34 = vector.shape_cast %div3A_33 : vector<1x2048xf32> to vector<2048xf32>
    %swap3A_35 = arith.constant 0 : index
    %swap3A_36 = vector.load %arg6[%swap3A_35] : memref<2048xf32, #tpu.memory_space<vmem>>, vector<2048xf32>
    tpu.vector_store %arg6[%swap3A_35], %reshape3A_34 {strides = array<i32>} : memref<2048xf32, #tpu.memory_space<vmem>>, vector<2048xf32>,
    %eq3A_37 = vector.broadcast %broadcast_in_dim3A_15 : vector<1x2048xi32> to vector<8x2048xi32>
    %eq3A_38 = arith.cmpi eq, %iota3A, %eq3A_37 : vector<8x2048xi32>
    %eq3A_39 = vector.broadcast %broadcast_in_dim3A_31 : vector<1x2048xi32> to vector<8x2048xi32>
    %eq3A_40 = arith.cmpi eq, %iota3A, %eq3A_39 : vector<8x2048xi32>
    %or3A = arith.ori %eq3A_38, %eq3A_40 : vector<8x2048xi1>
    %jit3A_41 = arith.constant 1.000000e+00 : f32
    %jit3A_42 = arith.constant 0.000000e+00 : f32
    %broadcast_in_dim3A_43 = vector.broadcast %jit3A_41 : f32 to vector<8x2048xf32>
    %broadcast_in_dim3A_44 = vector.broadcast %jit3A_42 : f32 to vector<8x2048xf32>
    %select_n3A_45 = arith.select %or3A, %broadcast_in_dim3A_43, %broadcast_in_dim3A_44 : vector<8x2048xi1>, vector<8x2048xf32>
    %iota3A_46 = tpu.iota {dimensions = array<i32: 0>} : vector<2048x2048xi32>
    %iota3A_47 = tpu.iota {dimensions = array<i32: 1>} : vector<2048x2048xi32>
    %le3A = arith.cmpi sle, %iota3A_46, %iota3A_47 : vector<2048x2048xi32>
    %jit3A_48 = arith.constant 1.000000e+00 : f32
    %jit3A_49 = arith.constant 0.000000e+00 : f32
    %broadcast_in_dim3A_50 = vector.broadcast %jit3A_48 : f32 to vector<2048x2048xf32>
    %broadcast_in_dim3A_51 = vector.broadcast %jit3A_49 : f32 to vector<2048x2048xf32>
    %select_n3A_52 = arith.select %le3A, %broadcast_in_dim3A_50, %broadcast_in_dim3A_51 : vector<2048x2048xi1>, vector<2048x2048xf32>
    %dot_general3A_53 = arith.constant dense<0.000000e+00> : vector<8x2048xf32>
    %dot_general3A_54 = tpu.matmul %select_n3A_45, %select_n3A_52, %dot_general3A_53 {dimension_numbers = #tpu.dot_dimension_numbers<[1], [0], [0], [1], [0, 0, 1, 1], [], []>, transpose_lhs_hint = false} : vector<8x2048xf32>, vector<2048x2048xf32>, vector<8x2048xf32> -> vector<8x2048xf32>
    %slice3A = vector.extract_strided_slice %dot_general3A_54 {offsets = [0, 2047], sizes = [8, 1], strides = [1, 1]} : vector<8x2048xf32> to vector<8x1xf32>
    %add3A_55 = arith.constant 2.550000e+02 : f32
    %add3A_56 = vector.broadcast %add3A_55 : f32 to vector<8x1xf32>
    %add3A_57 = arith.addf %slice3A, %add3A_56 : vector<8x1xf32>
    %mul3A = arith.constant 3.906250e-03 : f32
    %mul3A_58 = vector.broadcast %mul3A : f32 to vector<8x1xf32>
    %mul3A_59 = arith.mulf %add3A_57, %mul3A_58 : vector<8x1xf32>
    %floor3A = math.floor %mul3A_59 : vector<8x1xf32>
    %iota3A_60 = tpu.iota {dimensions = array<i32: 0>} : vector<8x8xi32>
    %iota3A_61 = tpu.iota {dimensions = array<i32: 1>} : vector<8x8xi32>
    %gt3A = arith.cmpi sgt, %iota3A_60, %iota3A_61 : vector<8x8xi32>
    %jit3A_62 = arith.constant 1.000000e+00 : f32
    %jit3A_63 = arith.constant 0.000000e+00 : f32
    %broadcast_in_dim3A_64 = vector.broadcast %jit3A_62 : f32 to vector<8x8xf32>
    %broadcast_in_dim3A_65 = vector.broadcast %jit3A_63 : f32 to vector<8x8xf32>
    %select_n3A_66 = arith.select %gt3A, %broadcast_in_dim3A_64, %broadcast_in_dim3A_65 : vector<8x8xi1>, vector<8x8xf32>
    %dot_general3A_67 = arith.constant dense<0.000000e+00> : vector<8x1xf32>
    %dot_general3A_68 = tpu.matmul %select_n3A_66, %floor3A, %dot_general3A_67 {dimension_numbers = #tpu.dot_dimension_numbers<[1], [0], [0], [1], [0, 0, 1, 1], [], []>, transpose_lhs_hint = false} : vector<8x8xf32>, vector<8x1xf32>, vector<8x1xf32> -> vector<8x1xf32>
    %mul3A_69 = arith.constant 2.560000e+02 : f32
    %mul3A_70 = vector.broadcast %mul3A_69 : f32 to vector<8x1xf32>
    %mul3A_71 = arith.mulf %dot_general3A_68, %mul3A_70 : vector<8x1xf32>
    %add3A_72 = vector.broadcast %mul3A_71 : vector<8x1xf32> to vector<8x2048xf32>
    %add3A_73 = arith.addf %add3A_72, %dot_general3A_54 : vector<8x2048xf32>
    %sub3A = arith.constant 1.000000e+00 : f32
    %sub3A_74 = vector.broadcast %sub3A : f32 to vector<8x2048xf32>
    %sub3A_75 = arith.subf %add3A_73, %sub3A_74 : vector<8x2048xf32>
    %jit3A_76 = arith.constant 0.000000e+00 : f32
    %broadcast_in_dim3A_77 = vector.broadcast %jit3A_76 : f32 to vector<8x2048xf32>
    %select_n3A_78 = arith.select %eq3A_38, %sub3A_75, %broadcast_in_dim3A_77 : vector<8x2048xi1>, vector<8x2048xf32>
    %reduce_sum3A = arith.constant dense<0.000000e+00> : vector<2048xf32>
    %reduce_sum3A_79 = vector.multi_reduction <add>, %select_n3A_78, %reduce_sum3A [0] : vector<8x2048xf32> to vector<2048xf32>
    %broadcast_in_dim3A_80 = vector.shape_cast %reduce_sum3A_79 : vector<2048xf32> to vector<1x2048xf32>
    %jit3A_81 = arith.constant 0.000000e+00 : f32
    %broadcast_in_dim3A_82 = vector.broadcast %jit3A_81 : f32 to vector<8x2048xf32>
    %select_n3A_83 = arith.select %eq3A_40, %sub3A_75, %broadcast_in_dim3A_82 : vector<8x2048xi1>, vector<8x2048xf32>
    %reduce_sum3A_84 = arith.constant dense<0.000000e+00> : vector<2048xf32>
    %reduce_sum3A_85 = vector.multi_reduction <add>, %select_n3A_83, %reduce_sum3A_84 [0] : vector<8x2048xf32> to vector<2048xf32>
    %broadcast_in_dim3A_86 = vector.shape_cast %reduce_sum3A_85 : vector<2048xf32> to vector<1x2048xf32>
    %reshape3A_87 = vector.shape_cast %broadcast_in_dim3A_80 : vector<1x2048xf32> to vector<2048xf32>
    %convert_element_type3A = arith.fptosi %reshape3A_87 : vector<2048xf32> to vector<2048xi32>
    %swap3A_88 = arith.constant 0 : index
    %swap3A_89 = vector.load %arg3[%swap3A_88] : memref<2048xi32, #tpu.memory_space<vmem>>, vector<2048xi32>
    tpu.vector_store %arg3[%swap3A_88], %convert_element_type3A {strides = array<i32>} : memref<2048xi32, #tpu.memory_space<vmem>>, vector<2048xi32>,
    %reshape3A_90 = vector.shape_cast %broadcast_in_dim3A_86 : vector<1x2048xf32> to vector<2048xf32>
    %convert_element_type3A_91 = arith.fptosi %reshape3A_90 : vector<2048xf32> to vector<2048xi32>
    %swap3A_92 = arith.constant 0 : index
    %swap3A_93 = vector.load %arg4[%swap3A_92] : memref<2048xi32, #tpu.memory_space<vmem>>, vector<2048xi32>
    tpu.vector_store %arg4[%swap3A_92], %convert_element_type3A_91 {strides = array<i32>} : memref<2048xi32, #tpu.memory_space<vmem>>, vector<2048xi32>,
    %iota3A_94 = tpu.iota {dimensions = array<i32: 1>} : vector<1x128xi32>
    %convert_element_type3A_95 = arith.sitofp %iota3A_94 : vector<1x128xi32> to vector<1x128xf32>
    %broadcast_in_dim3A_96 = arith.constant -1.000000e+00 : f32
    %broadcast_in_dim3A_97 = vector.broadcast %broadcast_in_dim3A_96 : f32 to vector<1x128xf32>
    %slice3A_98 = vector.extract_strided_slice %dot_general3A_68 {offsets = [0, 0], sizes = [1, 1], strides = [1, 1]} : vector<8x1xf32> to vector<1x1xf32>
    %le3A_99 = vector.broadcast %slice3A_98 : vector<1x1xf32> to vector<1x128xf32>
    %le3A_100 = arith.cmpf ole, %le3A_99, %convert_element_type3A_95 : vector<1x128xf32>
    %jit3A_101 = arith.constant 1.000000e+00 : f32
    %jit3A_102 = arith.constant 0.000000e+00 : f32
    %broadcast_in_dim3A_103 = vector.broadcast %jit3A_101 : f32 to vector<1x128xf32>
    %broadcast_in_dim3A_104 = vector.broadcast %jit3A_102 : f32 to vector<1x128xf32>
    %select_n3A_105 = arith.select %le3A_100, %broadcast_in_dim3A_103, %broadcast_in_dim3A_104 : vector<1x128xi1>, vector<1x128xf32>
    %add3A_106 = arith.addf %broadcast_in_dim3A_97, %select_n3A_105 : vector<1x128xf32>
    %slice3A_107 = vector.extract_strided_slice %dot_general3A_68 {offsets = [1, 0], sizes = [1, 1], strides = [1, 1]} : vector<8x1xf32> to vector<1x1xf32>
    %le3A_108 = vector.broadcast %slice3A_107 : vector<1x1xf32> to vector<1x128xf32>
    %le3A_109 = arith.cmpf ole, %le3A_108, %convert_element_type3A_95 : vector<1x128xf32>
    %jit3A_110 = arith.constant 1.000000e+00 : f32
    %jit3A_111 = arith.constant 0.000000e+00 : f32
    %broadcast_in_dim3A_112 = vector.broadcast %jit3A_110 : f32 to vector<1x128xf32>
    %broadcast_in_dim3A_113 = vector.broadcast %jit3A_111 : f32 to vector<1x128xf32>
    %select_n3A_114 = arith.select %le3A_109, %broadcast_in_dim3A_112, %broadcast_in_dim3A_113 : vector<1x128xi1>, vector<1x128xf32>
    %add3A_115 = arith.addf %add3A_106, %select_n3A_114 : vector<1x128xf32>
    %slice3A_116 = vector.extract_strided_slice %dot_general3A_68 {offsets = [2, 0], sizes = [1, 1], strides = [1, 1]} : vector<8x1xf32> to vector<1x1xf32>
    %le3A_117 = vector.broadcast %slice3A_116 : vector<1x1xf32> to vector<1x128xf32>
    %le3A_118 = arith.cmpf ole, %le3A_117, %convert_element_type3A_95 : vector<1x128xf32>
    %jit3A_119 = arith.constant 1.000000e+00 : f32
    %jit3A_120 = arith.constant 0.000000e+00 : f32
    %broadcast_in_dim3A_121 = vector.broadcast %jit3A_119 : f32 to vector<1x128xf32>
    %broadcast_in_dim3A_122 = vector.broadcast %jit3A_120 : f32 to vector<1x128xf32>
    %select_n3A_123 = arith.select %le3A_118, %broadcast_in_dim3A_121, %broadcast_in_dim3A_122 : vector<1x128xi1>, vector<1x128xf32>
    %add3A_124 = arith.addf %add3A_115, %select_n3A_123 : vector<1x128xf32>
    %slice3A_125 = vector.extract_strided_slice %dot_general3A_68 {offsets = [3, 0], sizes = [1, 1], strides = [1, 1]} : vector<8x1xf32> to vector<1x1xf32>
    %le3A_126 = vector.broadcast %slice3A_125 : vector<1x1xf32> to vector<1x128xf32>
    %le3A_127 = arith.cmpf ole, %le3A_126, %convert_element_type3A_95 : vector<1x128xf32>
    %jit3A_128 = arith.constant 1.000000e+00 : f32
    %jit3A_129 = arith.constant 0.000000e+00 : f32
    %broadcast_in_dim3A_130 = vector.broadcast %jit3A_128 : f32 to vector<1x128xf32>
    %broadcast_in_dim3A_131 = vector.broadcast %jit3A_129 : f32 to vector<1x128xf32>
    %select_n3A_132 = arith.select %le3A_127, %broadcast_in_dim3A_130, %broadcast_in_dim3A_131 : vector<1x128xi1>, vector<1x128xf32>
    %add3A_133 = arith.addf %add3A_124, %select_n3A_132 : vector<1x128xf32>
    %slice3A_134 = vector.extract_strided_slice %dot_general3A_68 {offsets = [4, 0], sizes = [1, 1], strides = [1, 1]} : vector<8x1xf32> to vector<1x1xf32>
    %le3A_135 = vector.broadcast %slice3A_134 : vector<1x1xf32> to vector<1x128xf32>
    %le3A_136 = arith.cmpf ole, %le3A_135, %convert_element_type3A_95 : vector<1x128xf32>
    %jit3A_137 = arith.constant 1.000000e+00 : f32
    %jit3A_138 = arith.constant 0.000000e+00 : f32
    %broadcast_in_dim3A_139 = vector.broadcast %jit3A_137 : f32 to vector<1x128xf32>
    %broadcast_in_dim3A_140 = vector.broadcast %jit3A_138 : f32 to vector<1x128xf32>
    %select_n3A_141 = arith.select %le3A_136, %broadcast_in_dim3A_139, %broadcast_in_dim3A_140 : vector<1x128xi1>, vector<1x128xf32>
    %add3A_142 = arith.addf %add3A_133, %select_n3A_141 : vector<1x128xf32>
    %slice3A_143 = vector.extract_strided_slice %dot_general3A_68 {offsets = [5, 0], sizes = [1, 1], strides = [1, 1]} : vector<8x1xf32> to vector<1x1xf32>
    %le3A_144 = vector.broadcast %slice3A_143 : vector<1x1xf32> to vector<1x128xf32>
    %le3A_145 = arith.cmpf ole, %le3A_144, %convert_element_type3A_95 : vector<1x128xf32>
    %jit3A_146 = arith.constant 1.000000e+00 : f32
    %jit3A_147 = arith.constant 0.000000e+00 : f32
    %broadcast_in_dim3A_148 = vector.broadcast %jit3A_146 : f32 to vector<1x128xf32>
    %broadcast_in_dim3A_149 = vector.broadcast %jit3A_147 : f32 to vector<1x128xf32>
    %select_n3A_150 = arith.select %le3A_145, %broadcast_in_dim3A_148, %broadcast_in_dim3A_149 : vector<1x128xi1>, vector<1x128xf32>
    %add3A_151 = arith.addf %add3A_142, %select_n3A_150 : vector<1x128xf32>
    %slice3A_152 = vector.extract_strided_slice %dot_general3A_68 {offsets = [6, 0], sizes = [1, 1], strides = [1, 1]} : vector<8x1xf32> to vector<1x1xf32>
    %le3A_153 = vector.broadcast %slice3A_152 : vector<1x1xf32> to vector<1x128xf32>
    %le3A_154 = arith.cmpf ole, %le3A_153, %convert_element_type3A_95 : vector<1x128xf32>
    %jit3A_155 = arith.constant 1.000000e+00 : f32
    %jit3A_156 = arith.constant 0.000000e+00 : f32
    %broadcast_in_dim3A_157 = vector.broadcast %jit3A_155 : f32 to vector<1x128xf32>
    %broadcast_in_dim3A_158 = vector.broadcast %jit3A_156 : f32 to vector<1x128xf32>
    %select_n3A_159 = arith.select %le3A_154, %broadcast_in_dim3A_157, %broadcast_in_dim3A_158 : vector<1x128xi1>, vector<1x128xf32>
    %add3A_160 = arith.addf %add3A_151, %select_n3A_159 : vector<1x128xf32>
    %slice3A_161 = vector.extract_strided_slice %dot_general3A_68 {offsets = [7, 0], sizes = [1, 1], strides = [1, 1]} : vector<8x1xf32> to vector<1x1xf32>
    %le3A_162 = vector.broadcast %slice3A_161 : vector<1x1xf32> to vector<1x128xf32>
    %le3A_163 = arith.cmpf ole, %le3A_162, %convert_element_type3A_95 : vector<1x128xf32>
    %jit3A_164 = arith.constant 1.000000e+00 : f32
    %jit3A_165 = arith.constant 0.000000e+00 : f32
    %broadcast_in_dim3A_166 = vector.broadcast %jit3A_164 : f32 to vector<1x128xf32>
    %broadcast_in_dim3A_167 = vector.broadcast %jit3A_165 : f32 to vector<1x128xf32>
    %select_n3A_168 = arith.select %le3A_163, %broadcast_in_dim3A_166, %broadcast_in_dim3A_167 : vector<1x128xi1>, vector<1x128xf32>
    %add3A_169 = arith.addf %add3A_160, %select_n3A_168 : vector<1x128xf32>
    %reshape3A_170 = vector.shape_cast %add3A_169 : vector<1x128xf32> to vector<128xf32>
    %convert_element_type3A_171 = arith.fptosi %reshape3A_170 : vector<128xf32> to vector<128xi32>
    %swap3A_172 = arith.constant 0 : index
    %swap3A_173 = vector.load %arg7[%swap3A_172] : memref<128xi32, #tpu.memory_space<vmem>>, vector<128xi32>
    tpu.vector_store %arg7[%swap3A_172], %convert_element_type3A_171 {strides = array<i32>} : memref<128xi32, #tpu.memory_space<vmem>>, vector<128xi32>,
    %reduce_sum3A_174 = arith.constant dense<0.000000e+00> : vector<1xf32>
    %reduce_sum3A_175 = vector.multi_reduction <add>, %floor3A, %reduce_sum3A_174 [0] : vector<8x1xf32> to vector<1xf32>
    %broadcast_in_dim3A_176 = vector.shape_cast %reduce_sum3A_175 : vector<1xf32> to vector<1x1xf32>
    %reshape3A_177 = vector.shape_cast %broadcast_in_dim3A_176 : vector<1x1xf32> to vector<1xf32>
    %convert_element_type3A_178 = arith.fptosi %reshape3A_177 : vector<1xf32> to vector<1xi32>
    %swap3A_179 = arith.constant 0 : index
    %swap3A_180 = vector.load %arg8[%swap3A_179] : memref<1xi32, #tpu.memory_space<vmem>>, vector<1xi32>
    tpu.vector_store %arg8[%swap3A_179], %convert_element_type3A_178 {strides = array<i32>} : memref<1xi32, #tpu.memory_space<vmem>>, vector<1xi32>,
    return
  }
  func.func @transform_0(%arg0: i32) -> (i32, i32) {
    %c0_i32 = arith.constant 0 : i32
    %c0_i32_0 = arith.constant 0 : i32
    %c0_i32_1 = arith.constant 0 : i32
    return %c0_i32, %c0_i32_0 : i32, i32
  }
  func.func @transform_1(%arg0: i32) -> (i32, i32) {
    %c0_i32 = arith.constant 0 : i32
    %c0_i32_0 = arith.constant 0 : i32
    %c0_i32_1 = arith.constant 0 : i32
    return %c0_i32, %c0_i32_0 : i32, i32
  }
  func.func @transform_2(%arg0: i32) -> i32 {
    %c0_i32 = arith.constant 0 : i32
    %c0_i32_0 = arith.constant 0 : i32
    return %c0_i32 : i32
  }
  func.func @transform_3(%arg0: i32) -> i32 {
    %c0_i32 = arith.constant 0 : i32
    %c0_i32_0 = arith.constant 0 : i32
    return %c0_i32 : i32
  }
  func.func @transform_4(%arg0: i32) -> i32 {
    %c0_i32 = arith.constant 0 : i32
    %c0_i32_0 = arith.constant 0 : i32
    return %c0_i32 : i32
  }
  func.func @transform_5(%arg0: i32) -> i32 {
    %c0_i32 = arith.constant 0 : i32
    %c0_i32_0 = arith.constant 0 : i32
    return %c0_i32 : i32
  }
  func.func @transform_6(%arg0: i32) -> i32 {
    %c0_i32 = arith.constant 0 : i32
    %c0_i32_0 = arith.constant 0 : i32
    return %c0_i32 : i32
  }
  func.func @transform_7(%arg0: i32) -> i32 {
    %c0_i32 = arith.constant 0 : i32
    %c0_i32_0 = arith.constant 0 : i32
    return %c0_i32 : i32
  }
}

module attributes {stable_mosaic.version = 14 : i64} {
  func.func @_shared_body(%arg0: i32, %arg1: memref<512x1024xf32, #tpu.memory_space<vmem>>, %arg2: memref<1024x1024xf32, #tpu.memory_space<vmem>>, %arg3: memref<1024x1024xf32, #tpu.memory_space<vmem>>, %arg4: memref<1024x1024xf32, #tpu.memory_space<vmem>>, %arg5: memref<512x1024xf32, #tpu.memory_space<vmem>>, %arg6: memref<512x1024xbf16, #tpu.memory_space<vmem>>) attributes {dimension_semantics = [#tpu.dimension_semantics<arbitrary>], iteration_bounds = array<i64: 4>, scalar_prefetch = 0 : i64, scratch_operands = 0 : i64, tpu.core_type = #tpu.core_type<tc>, window_params = [{transform_indices = @transform_0, window_bounds = array<i64: 512, 1024>}, {pipeline_mode = #tpu.pipeline_mode<synchronous>, transform_indices = @transform_1, window_bounds = array<i64: 1024, 1024>}, {pipeline_mode = #tpu.pipeline_mode<synchronous>, transform_indices = @transform_2, window_bounds = array<i64: 1024, 1024>}, {pipeline_mode = #tpu.pipeline_mode<synchronous>, transform_indices = @transform_3, window_bounds = array<i64: 1024, 1024>}, {transform_indices = @transform_4, window_bounds = array<i64: 512, 1024>}, {transform_indices = @transform_5, window_bounds = array<i64: 512, 1024>}]} {
    %get3A = arith.constant 0 : index
    %get3A_0 = arith.constant 0 : index
    %get3A_1 = vector.load %arg1[%get3A, %get3A_0] : memref<512x1024xf32, #tpu.memory_space<vmem>>, vector<512x1024xf32>
    %convert_element_type3A = arith.truncf %get3A_1 : vector<512x1024xf32> to vector<512x1024xbf16>
    %swap3A = arith.constant 0 : index
    %swap3A_2 = arith.constant 0 : index
    %swap3A_3 = vector.load %arg6[%swap3A, %swap3A_2] : memref<512x1024xbf16, #tpu.memory_space<vmem>>, vector<512x1024xbf16>
    tpu.vector_store %arg6[%swap3A, %swap3A_2], %convert_element_type3A {strides = array<i32>} : memref<512x1024xbf16, #tpu.memory_space<vmem>>, vector<512x1024xbf16>,
    %get3A_4 = arith.constant 0 : index
    %get3A_5 = arith.constant 0 : index
    %get3A_6 = vector.load %arg2[%get3A_4, %get3A_5] : memref<1024x1024xf32, #tpu.memory_space<vmem>>, vector<1024x1024xf32>
    %convert_element_type3A_7 = arith.truncf %get3A_6 : vector<1024x1024xf32> to vector<1024x1024xbf16>
    %get3A_8 = arith.constant 0 : index
    %get3A_9 = arith.constant 0 : index
    %get3A_10 = vector.load %arg3[%get3A_8, %get3A_9] : memref<1024x1024xf32, #tpu.memory_space<vmem>>, vector<1024x1024xf32>
    %convert_element_type3A_11 = arith.truncf %get3A_10 : vector<1024x1024xf32> to vector<1024x1024xbf16>
    %get3A_12 = arith.constant 0 : index
    %get3A_13 = arith.constant 0 : index
    %get3A_14 = vector.load %arg4[%get3A_12, %get3A_13] : memref<1024x1024xf32, #tpu.memory_space<vmem>>, vector<1024x1024xf32>
    %convert_element_type3A_15 = arith.truncf %get3A_14 : vector<1024x1024xf32> to vector<1024x1024xbf16>
    %dot_general3A = arith.constant dense<0.000000e+00> : vector<512x1024xf32>
    %dot_general3A_16 = tpu.matmul %convert_element_type3A, %convert_element_type3A_7, %dot_general3A {dimension_numbers = #tpu.dot_dimension_numbers<[1], [1], [0], [0], [0, 0, 1, 0], [], []>, transpose_lhs_hint = false} : vector<512x1024xbf16>, vector<1024x1024xbf16>, vector<512x1024xf32> -> vector<512x1024xf32>
    %dot_general3A_17 = arith.constant dense<0.000000e+00> : vector<512x1024xf32>
    %dot_general3A_18 = tpu.matmul %convert_element_type3A, %convert_element_type3A_15, %dot_general3A_17 {dimension_numbers = #tpu.dot_dimension_numbers<[1], [1], [0], [0], [0, 0, 1, 0], [], []>, transpose_lhs_hint = false} : vector<512x1024xbf16>, vector<1024x1024xbf16>, vector<512x1024xf32> -> vector<512x1024xf32>
    %logistic3A = arith.negf %dot_general3A_16 : vector<512x1024xf32>
    %logistic3A_19 = math.exp %logistic3A : vector<512x1024xf32>
    %logistic3A_20 = arith.constant 1.000000e+00 : f32
    %logistic3A_21 = vector.broadcast %logistic3A_20 : f32 to vector<512x1024xf32>
    %logistic3A_22 = arith.addf %logistic3A_21, %logistic3A_19 : vector<512x1024xf32>
    %logistic3A_23 = arith.divf %logistic3A_21, %logistic3A_22 : vector<512x1024xf32>
    %mul3A = arith.mulf %dot_general3A_16, %logistic3A_23 : vector<512x1024xf32>
    %mul3A_24 = arith.mulf %mul3A, %dot_general3A_18 : vector<512x1024xf32>
    %convert_element_type3A_25 = arith.truncf %mul3A_24 : vector<512x1024xf32> to vector<512x1024xbf16>
    %dot_general3A_26 = arith.constant dense<0.000000e+00> : vector<512x1024xf32>
    %dot_general3A_27 = tpu.matmul %convert_element_type3A_25, %convert_element_type3A_11, %dot_general3A_26 {dimension_numbers = #tpu.dot_dimension_numbers<[1], [1], [0], [0], [0, 0, 1, 0], [], []>, transpose_lhs_hint = false} : vector<512x1024xbf16>, vector<1024x1024xbf16>, vector<512x1024xf32> -> vector<512x1024xf32>
    %swap3A_28 = arith.constant 0 : index
    %swap3A_29 = arith.constant 0 : index
    %swap3A_30 = vector.load %arg5[%swap3A_28, %swap3A_29] : memref<512x1024xf32, #tpu.memory_space<vmem>>, vector<512x1024xf32>
    tpu.vector_store %arg5[%swap3A_28, %swap3A_29], %dot_general3A_27 {strides = array<i32>} : memref<512x1024xf32, #tpu.memory_space<vmem>>, vector<512x1024xf32>,
    return
  }
  func.func @transform_0(%arg0: i32) -> (i32, i32) {
    %c0_i32 = arith.constant 0 : i32
    %c0_i32_0 = arith.constant 0 : i32
    return %arg0, %c0_i32 : i32, i32
  }
  func.func @transform_1(%arg0: i32) -> (i32, i32) {
    %c0_i32 = arith.constant 0 : i32
    %c0_i32_0 = arith.constant 0 : i32
    %c0_i32_1 = arith.constant 0 : i32
    return %c0_i32, %c0_i32_0 : i32, i32
  }
  func.func @transform_2(%arg0: i32) -> (i32, i32) {
    %c0_i32 = arith.constant 0 : i32
    %c0_i32_0 = arith.constant 0 : i32
    %c0_i32_1 = arith.constant 0 : i32
    return %c0_i32, %c0_i32_0 : i32, i32
  }
  func.func @transform_3(%arg0: i32) -> (i32, i32) {
    %c0_i32 = arith.constant 0 : i32
    %c0_i32_0 = arith.constant 0 : i32
    %c0_i32_1 = arith.constant 0 : i32
    return %c0_i32, %c0_i32_0 : i32, i32
  }
  func.func @transform_4(%arg0: i32) -> (i32, i32) {
    %c0_i32 = arith.constant 0 : i32
    %c0_i32_0 = arith.constant 0 : i32
    return %arg0, %c0_i32 : i32, i32
  }
  func.func @transform_5(%arg0: i32) -> (i32, i32) {
    %c0_i32 = arith.constant 0 : i32
    %c0_i32_0 = arith.constant 0 : i32
    return %arg0, %c0_i32 : i32, i32
  }
}

module attributes {stable_mosaic.version = 14 : i64} {
  func.func @_gemm_body(%arg0: i32, %arg1: memref<128xi32, #tpu.memory_space<smem>>, %arg2: memref<1xi32, #tpu.memory_space<smem>>, %arg3: memref<256xi32, #tpu.memory_space<vmem>>, %arg4: memref<256xf32, #tpu.memory_space<vmem>>, %arg5: memref<2048x1024xbf16, #tpu.memory_space<vmem>>, %arg6: memref<2048x1024xf32, #tpu.memory_space<vmem>>, %arg7: memref<1x512x1024xf32, #tpu.memory_space<vmem>>, %arg8: memref<1x1024x512xf32, #tpu.memory_space<vmem>>, %arg9: memref<1x512x1024xf32, #tpu.memory_space<vmem>>, %arg10: memref<2048x1024xf32, #tpu.memory_space<vmem>>) attributes {dimension_semantics = [#tpu.dimension_semantics<arbitrary>], iteration_bounds = array<i64: 24>, scalar_prefetch = 2 : i64, scratch_operands = 0 : i64, tpu.core_type = #tpu.core_type<tc>, window_params = [{transform_indices = @transform_0, window_bounds = array<i64: 256>}, {transform_indices = @transform_1, window_bounds = array<i64: 256>}, {pipeline_mode = #tpu.pipeline_mode<synchronous>, transform_indices = @transform_2, window_bounds = array<i64: 2048, 1024>}, {pipeline_mode = #tpu.pipeline_mode<synchronous>, transform_indices = @transform_3, window_bounds = array<i64: 2048, 1024>}, {transform_indices = @transform_4, window_bounds = array<i64: 1, 512, 1024>}, {transform_indices = @transform_5, window_bounds = array<i64: 1, 1024, 512>}, {transform_indices = @transform_6, window_bounds = array<i64: 1, 512, 1024>}, {pipeline_mode = #tpu.pipeline_mode<synchronous>, transform_indices = @transform_7, window_bounds = array<i64: 2048, 1024>}]} {
    %eq3A = arith.constant 0 : i32
    %eq3A_0 = arith.cmpi eq, %arg0, %eq3A : i32
    %convert_element_type3A = arith.extui %eq3A_0 : i1 to i32
    %cond3A = arith.constant 0 : i32
    %cond3A_1 = arith.cmpi ne, %convert_element_type3A, %cond3A : i32
    scf.if %cond3A_1 {
      %get3A_6 = arith.constant 0 : index
      %get3A_7 = arith.constant 0 : index
      %get3A_8 = vector.load %arg6[%get3A_6, %get3A_7] : memref<2048x1024xf32, #tpu.memory_space<vmem>>, vector<2048x1024xf32>
      %swap3A = arith.constant 0 : index
      %swap3A_9 = arith.constant 0 : index
      %swap3A_10 = vector.load %arg10[%swap3A, %swap3A_9] : memref<2048x1024xf32, #tpu.memory_space<vmem>>, vector<2048x1024xf32>
      tpu.vector_store %arg10[%swap3A, %swap3A_9], %get3A_8 {strides = array<i32>} : memref<2048x1024xf32, #tpu.memory_space<vmem>>, vector<2048x1024xf32>,
    } else {
    }
    %get3A = arith.constant 0 : index
    %get3A_2 = memref.load %arg2[%get3A] : memref<1xi32, #tpu.memory_space<smem>>
    %lt3A = arith.cmpi slt, %arg0, %get3A_2 : i32
    %convert_element_type3A_3 = arith.extui %lt3A : i1 to i32
    %cond3A_4 = arith.constant 0 : i32
    %cond3A_5 = arith.cmpi ne, %convert_element_type3A_3, %cond3A_4 : i32
    scf.if %cond3A_5 {
      %get3A_6 = arith.constant 0 : index
      %get3A_7 = vector.load %arg3[%get3A_6] : memref<256xi32, #tpu.memory_space<vmem>>, vector<256xi32>
      %reshape3A = vector.shape_cast %get3A_7 : vector<256xi32> to vector<1x256xi32>
      %get3A_8 = arith.constant 0 : index
      %get3A_9 = vector.load %arg4[%get3A_8] : memref<256xf32, #tpu.memory_space<vmem>>, vector<256xf32>
      %reshape3A_10 = vector.shape_cast %get3A_9 : vector<256xf32> to vector<1x256xf32>
      %iota3A = tpu.iota {dimensions = array<i32: 0>} : vector<2048x256xi32>
      %eq3A_11 = vector.broadcast %reshape3A : vector<1x256xi32> to vector<2048x256xi32>
      %eq3A_12 = arith.cmpi eq, %iota3A, %eq3A_11 : vector<2048x256xi32>
      %convert_element_type3A_13 = arith.extui %eq3A_12 : vector<2048x256xi1> to vector<2048x256xi32>
      %convert_element_type3A_14 = arith.sitofp %convert_element_type3A_13 : vector<2048x256xi32> to vector<2048x256xf32>
      %convert_element_type3A_15 = arith.truncf %convert_element_type3A_14 : vector<2048x256xf32> to vector<2048x256xbf16>
      %jit3A = arith.constant 0.000000e+00 : f32
      %broadcast_in_dim3A = vector.shape_cast %reshape3A_10 : vector<1x256xf32> to vector<1x256xf32>
      %broadcast_in_dim3A_16 = vector.broadcast %broadcast_in_dim3A : vector<1x256xf32> to vector<2048x256xf32>
      %broadcast_in_dim3A_17 = vector.broadcast %jit3A : f32 to vector<2048x256xf32>
      %select_n3A = arith.select %eq3A_12, %broadcast_in_dim3A_16, %broadcast_in_dim3A_17 : vector<2048x256xi1>, vector<2048x256xf32>
      %convert_element_type3A_18 = arith.truncf %select_n3A : vector<2048x256xf32> to vector<2048x256xbf16>
      %get3A_19 = arith.constant 0 : index
      %get3A_20 = arith.constant 0 : index
      %get3A_21 = vector.load %arg5[%get3A_19, %get3A_20] : memref<2048x1024xbf16, #tpu.memory_space<vmem>>, vector<2048x1024xbf16>
      %dot_general3A = arith.constant dense<0.000000e+00> : vector<256x1024xf32>
      %dot_general3A_22 = tpu.matmul %convert_element_type3A_15, %get3A_21, %dot_general3A {dimension_numbers = #tpu.dot_dimension_numbers<[0], [0], [1], [1], [0, 1, 1, 1], [], []>, transpose_lhs_hint = false} : vector<2048x256xbf16>, vector<2048x1024xbf16>, vector<256x1024xf32> -> vector<256x1024xf32>
      %convert_element_type3A_23 = arith.truncf %dot_general3A_22 : vector<256x1024xf32> to vector<256x1024xbf16>
      %get3A_24 = arith.constant 0 : index
      %get3A_25 = arith.constant 0 : index
      %get3A_26 = arith.constant 0 : index
      %get3A_27 = vector.load %arg7[%get3A_24, %get3A_25, %get3A_26] : memref<1x512x1024xf32, #tpu.memory_space<vmem>>, vector<1x512x1024xf32>
      %get3A_28 = vector.shape_cast %get3A_27 : vector<1x512x1024xf32> to vector<512x1024xf32>
      %convert_element_type3A_29 = arith.truncf %get3A_28 : vector<512x1024xf32> to vector<512x1024xbf16>
      %get3A_30 = arith.constant 0 : index
      %get3A_31 = arith.constant 0 : index
      %get3A_32 = arith.constant 0 : index
      %get3A_33 = vector.load %arg8[%get3A_30, %get3A_31, %get3A_32] : memref<1x1024x512xf32, #tpu.memory_space<vmem>>, vector<1x1024x512xf32>
      %get3A_34 = vector.shape_cast %get3A_33 : vector<1x1024x512xf32> to vector<1024x512xf32>
      %convert_element_type3A_35 = arith.truncf %get3A_34 : vector<1024x512xf32> to vector<1024x512xbf16>
      %get3A_36 = arith.constant 0 : index
      %get3A_37 = arith.constant 0 : index
      %get3A_38 = arith.constant 0 : index
      %get3A_39 = vector.load %arg9[%get3A_36, %get3A_37, %get3A_38] : memref<1x512x1024xf32, #tpu.memory_space<vmem>>, vector<1x512x1024xf32>
      %get3A_40 = vector.shape_cast %get3A_39 : vector<1x512x1024xf32> to vector<512x1024xf32>
      %convert_element_type3A_41 = arith.truncf %get3A_40 : vector<512x1024xf32> to vector<512x1024xbf16>
      %dot_general3A_42 = arith.constant dense<0.000000e+00> : vector<256x512xf32>
      %dot_general3A_43 = tpu.matmul %convert_element_type3A_23, %convert_element_type3A_29, %dot_general3A_42 {dimension_numbers = #tpu.dot_dimension_numbers<[1], [1], [0], [0], [0, 0, 1, 0], [], []>, transpose_lhs_hint = false} : vector<256x1024xbf16>, vector<512x1024xbf16>, vector<256x512xf32> -> vector<256x512xf32>
      %dot_general3A_44 = arith.constant dense<0.000000e+00> : vector<256x512xf32>
      %dot_general3A_45 = tpu.matmul %convert_element_type3A_23, %convert_element_type3A_41, %dot_general3A_44 {dimension_numbers = #tpu.dot_dimension_numbers<[1], [1], [0], [0], [0, 0, 1, 0], [], []>, transpose_lhs_hint = false} : vector<256x1024xbf16>, vector<512x1024xbf16>, vector<256x512xf32> -> vector<256x512xf32>
      %logistic3A = arith.negf %dot_general3A_43 : vector<256x512xf32>
      %logistic3A_46 = math.exp %logistic3A : vector<256x512xf32>
      %logistic3A_47 = arith.constant 1.000000e+00 : f32
      %logistic3A_48 = vector.broadcast %logistic3A_47 : f32 to vector<256x512xf32>
      %logistic3A_49 = arith.addf %logistic3A_48, %logistic3A_46 : vector<256x512xf32>
      %logistic3A_50 = arith.divf %logistic3A_48, %logistic3A_49 : vector<256x512xf32>
      %mul3A = arith.mulf %dot_general3A_43, %logistic3A_50 : vector<256x512xf32>
      %mul3A_51 = arith.mulf %mul3A, %dot_general3A_45 : vector<256x512xf32>
      %convert_element_type3A_52 = arith.truncf %mul3A_51 : vector<256x512xf32> to vector<256x512xbf16>
      %dot_general3A_53 = arith.constant dense<0.000000e+00> : vector<256x1024xf32>
      %dot_general3A_54 = tpu.matmul %convert_element_type3A_52, %convert_element_type3A_35, %dot_general3A_53 {dimension_numbers = #tpu.dot_dimension_numbers<[1], [1], [0], [0], [0, 0, 1, 0], [], []>, transpose_lhs_hint = false} : vector<256x512xbf16>, vector<1024x512xbf16>, vector<256x1024xf32> -> vector<256x1024xf32>
      %convert_element_type3A_55 = arith.truncf %dot_general3A_54 : vector<256x1024xf32> to vector<256x1024xbf16>
      %get3A_56 = arith.constant 0 : index
      %get3A_57 = arith.constant 0 : index
      %get3A_58 = vector.load %arg10[%get3A_56, %get3A_57] : memref<2048x1024xf32, #tpu.memory_space<vmem>>, vector<2048x1024xf32>
      %dot_general3A_59 = arith.constant dense<0.000000e+00> : vector<2048x1024xf32>
      %dot_general3A_60 = tpu.matmul %convert_element_type3A_18, %convert_element_type3A_55, %dot_general3A_59 {dimension_numbers = #tpu.dot_dimension_numbers<[1], [0], [0], [1], [0, 0, 1, 1], [], []>, transpose_lhs_hint = false} : vector<2048x256xbf16>, vector<256x1024xbf16>, vector<2048x1024xf32> -> vector<2048x1024xf32>
      %add3A = arith.addf %get3A_58, %dot_general3A_60 : vector<2048x1024xf32>
      %swap3A = arith.constant 0 : index
      %swap3A_61 = arith.constant 0 : index
      %swap3A_62 = vector.load %arg10[%swap3A, %swap3A_61] : memref<2048x1024xf32, #tpu.memory_space<vmem>>, vector<2048x1024xf32>
      tpu.vector_store %arg10[%swap3A, %swap3A_61], %add3A {strides = array<i32>} : memref<2048x1024xf32, #tpu.memory_space<vmem>>, vector<2048x1024xf32>,
    } else {
    }
    return
  }
  func.func @transform_0(%arg0: i32, %arg1: memref<128xi32, #tpu.memory_space<smem>>, %arg2: memref<1xi32, #tpu.memory_space<smem>>) -> i32 {
    %c0_i32 = arith.constant 0 : i32
    return %arg0 : i32
  }
  func.func @transform_1(%arg0: i32, %arg1: memref<128xi32, #tpu.memory_space<smem>>, %arg2: memref<1xi32, #tpu.memory_space<smem>>) -> i32 {
    %c0_i32 = arith.constant 0 : i32
    return %arg0 : i32
  }
  func.func @transform_2(%arg0: i32, %arg1: memref<128xi32, #tpu.memory_space<smem>>, %arg2: memref<1xi32, #tpu.memory_space<smem>>) -> (i32, i32) {
    %c0_i32 = arith.constant 0 : i32
    %c0_i32_0 = arith.constant 0 : i32
    %c0_i32_1 = arith.constant 0 : i32
    return %c0_i32, %c0_i32_0 : i32, i32
  }
  func.func @transform_3(%arg0: i32, %arg1: memref<128xi32, #tpu.memory_space<smem>>, %arg2: memref<1xi32, #tpu.memory_space<smem>>) -> (i32, i32) {
    %c0_i32 = arith.constant 0 : i32
    %c0_i32_0 = arith.constant 0 : i32
    %c0_i32_1 = arith.constant 0 : i32
    return %c0_i32, %c0_i32_0 : i32, i32
  }
  func.func @transform_4(%arg0: i32, %arg1: memref<128xi32, #tpu.memory_space<smem>>, %arg2: memref<1xi32, #tpu.memory_space<smem>>) -> (i32, i32, i32) {
    %get3A = arith.index_cast %arg0 : i32 to index
    %get3A_0 = memref.load %arg1[%get3A] : memref<128xi32, #tpu.memory_space<smem>>
    %c0_i32 = arith.constant 0 : i32
    %c0_i32_1 = arith.constant 0 : i32
    %c0_i32_2 = arith.constant 0 : i32
    return %get3A_0, %c0_i32, %c0_i32_1 : i32, i32, i32
  }
  func.func @transform_5(%arg0: i32, %arg1: memref<128xi32, #tpu.memory_space<smem>>, %arg2: memref<1xi32, #tpu.memory_space<smem>>) -> (i32, i32, i32) {
    %get3A = arith.index_cast %arg0 : i32 to index
    %get3A_0 = memref.load %arg1[%get3A] : memref<128xi32, #tpu.memory_space<smem>>
    %c0_i32 = arith.constant 0 : i32
    %c0_i32_1 = arith.constant 0 : i32
    %c0_i32_2 = arith.constant 0 : i32
    return %get3A_0, %c0_i32, %c0_i32_1 : i32, i32, i32
  }
  func.func @transform_6(%arg0: i32, %arg1: memref<128xi32, #tpu.memory_space<smem>>, %arg2: memref<1xi32, #tpu.memory_space<smem>>) -> (i32, i32, i32) {
    %get3A = arith.index_cast %arg0 : i32 to index
    %get3A_0 = memref.load %arg1[%get3A] : memref<128xi32, #tpu.memory_space<smem>>
    %c0_i32 = arith.constant 0 : i32
    %c0_i32_1 = arith.constant 0 : i32
    %c0_i32_2 = arith.constant 0 : i32
    return %get3A_0, %c0_i32, %c0_i32_1 : i32, i32, i32
  }
  func.func @transform_7(%arg0: i32, %arg1: memref<128xi32, #tpu.memory_space<smem>>, %arg2: memref<1xi32, #tpu.memory_space<smem>>) -> (i32, i32) {
    %c0_i32 = arith.constant 0 : i32
    %c0_i32_0 = arith.constant 0 : i32
    %c0_i32_1 = arith.constant 0 : i32
    return %c0_i32, %c0_i32_0 : i32, i32
  }
}

</mosaic_0001>

<sc_bundles>
// kernel: kernel.6.cloned.1.call-start
scs
__scs_entry_jumppad:
0x0: {  	(pc) =	sbr.rel $0x88, $3  }
0x1: {  	(tag) =	ssettag $0x0;
	lr =	simm.s32 $0x1  }
0x2: {  	[smem:$0x3F99] =	sst lr;
	_ =	strace $0xD0000000  }
0x3: {  	_ = 	snop  }
0x4: {  	_ = 	snop  }
0x5: {  	_ = 	snop  }
0x6: {  	_ = 	snop  }
0x7: {  	_ = 	snop  }
__scs_overlays_trampoline_lowered:
0x8: {  	[smem:$0x3FA8] =	sst s0  }
0x9: {  	[smem:$0x3FA9] =	sst s1  }
0xa: {  	[smem:$0x3FAA] =	sst s2  }
0xb: {  	[smem:$0x3FAB] =	sst s3  }
0xc: {  	[smem:$0x3FAC] =	sst s4  }
0xd: {  	[smem:$0x3FAD] =	sst s5  }
0xe: {  	[smem:$0x3FAE] =	sst s6  }
0xf: {  	[smem:$0x3FAF] =	sst s7  }
0x10: {  	[smem:$0x3FB0] =	sst s8  }
0x11: {  	[smem:$0x3FB1] =	sst s9;
	s0 =	simm.s32 @!p0 $0x0  }
0x12: {  	s1 =	sld [smem:$0x3F97];
	s0 =	simm.s32 @p0 $0x1  }
0x13: {  	[smem:$0x3FB2] =	sst s0;
	s0 =	simm.s32 @!p1 $0x0  }
0x14: {  	s2 =	sld [smem:$0x3F96];
	s0 =	simm.s32 @p1 $0x1  }
0x15: {  	[smem:$0x3FB3] =	sst s0;
	s0 =	simm.s32 @!p2 $0x0  }
0x16: {  	s3 =	sld [smem:$0x3FDB];
	s0 =	simm.s32 @p2 $0x1  }
0x17: {  	s4 =	simm.s32 $0x1BF5;
	[smem:$0x3FB5] =	sst s0  }
0x18: {  	s0 =	sld [smem:$0x3F98];
	_ =	swait.ge [sflag:s4], $0x0  }
0x19: {  	s7 =	sld [smem:$0x3F99]  }
0x1a: {  	s8 =	sadd.s32 $0xFFFFE003, lr  }
0x1b: {  	s9 =	sadd.s32 $0xFFFFFEF7, lr;
	s5 =	simm.s32 $0xFFFFFFFF;
	p2 =	slt.u32 s8, $0xFFFFF086  }
0x1c: {  	p1 =	slt.u32 s9, $0xF7A;
	s5 =	simm.s32 @!p2 $0x0  }
0x1d: {  	s5 =	simm.s32 @p1 $0x1;
	p0 =	seq.s32 s7, s2  }
0x1e: {  	s7 =	smul.u32 @!p0 $0xF7A, s2;
	p2 =	seq.s32 @!p0 s5, $0x0  }
0x1f: {  	s9 =	smul.u32 $0xF7A, s1;
	s8 =	simm.s32 @!p0 $0x1BF5;
	p2 =	por !p2, p0  }
0x20: {  	[sflag:s8] =	ssyncset.s32 @!p0 $0xFFFFF086;
	s6 =	sadd.s32 @!p0 s3, s7;
	s7 =	simm.s32 @!p0 $0x108  }
0x21: {  	s3 =	sadd.s32 s3, s9;
	s6 =	sadd.s32 @!p0 $0x88, s6;
	s7 =	simm.s32 @p2 $0x1082  }
0x22: {  	[simem:s7], [sflag:s8] =	dma.local @!p0 [hbm:s6], $0xF7A  }
0x23: {  	s9 =	sor.u32 $0xD0000000, s2;
	s6 =	simm.s32 $0x108;
	_ =	swait.ge @!p0 [sflag:s8], $0x0  }
0x24: {  	s3 =	sadd.s32 $0x88, s3;
	s6 =	simm.s32 @!p1 $0x1082;
	[sflag:s4] =	ssyncset.s32 $0xFFFFF086  }
0x25: {  	[simem:s6], [sflag:s4] =	dma.local [hbm:s3], $0xF7A  }
0x26: {  	[smem:$0x3F99] =	sst s1;
	(tag) =	ssettag s2;
	_ =	strace s9  }
0x27: {  	s1 =	sld [smem:$0x3FA9]  }
0x28: {  	s2 =	sld [smem:$0x3FAA]  }
0x29: {  	s4 =	sld [smem:$0x3FAC]  }
0x2a: {  	p0 =	seq.s32 s5, $0x0;
	s5 =	sld [smem:$0x3FAD]  }
0x2b: {  	s6 =	sld [smem:$0x3FAE]  }
0x2c: {  	s7 =	sld [smem:$0x3FAF]  }
0x2d: {  	s3 =	simm.s32 $0x108;
	s8 =	sld [smem:$0x3FB0]  }
0x2e: {  	s3 =	simm.s32 @!p0 $0x1082;
	s9 =	sld [smem:$0x3FB1]  }
0x2f: {  	lr =	sadd.s32 s0, s3;
	s0 =	sld [smem:$0x3FA8]  }
0x30: {  	s3 =	sld [smem:$0x3FAB]  }
0x31: {  	[smem:$0x3FB4] =	sst s10  }
0x32: {  	s10 =	sld [smem:$0x3FB2];
	_ =	sdelay $0x3  }
0x33: {  	p0 =	seq.s32 s10, $0x1;
	s10 =	sld [smem:$0x3FB4];
	_ =	sdelay $0x3  }
0x34: {  	[smem:$0x3FB4] =	sst s10  }
0x35: {  	s10 =	sld [smem:$0x3FB3];
	_ =	sdelay $0x3  }
0x36: {  	p1 =	seq.s32 s10, $0x1;
	s10 =	sld [smem:$0x3FB4];
	_ =	sdelay $0x3  }
0x37: {  	[smem:$0x3FB4] =	sst s10  }
0x38: {  	s10 =	sld [smem:$0x3FB5]  }
0x39: {  	_ = 	snop;
	(pc) =	sbr.ind lr, $3  }
0x3a: {  	_ = 	snop  }
0x3b: {  	_ = 	snop  }
0x3c: {  	p2 =	seq.s32 s10, $0x1;
	s10 =	sld [smem:$0x3FB4]  }
0x3d: {  	_ =	shalt  }
0x3e: {  	_ =	shalt  }
0x3f: {  	_ =	shalt  }
0x40: {  	_ =	shalt  }
0x41: {  	_ =	shalt  }
0x42: {  	_ =	shalt  }
0x43: {  	_ =	shalt  }
0x44: {  	_ =	shalt  }
0x45: {  	_ =	shalt  }
0x46: {  	_ =	shalt  }
0x47: {  	_ =	shalt  }
0x48: {  	_ =	shalt  }
0x49: {  	_ =	shalt  }
0x4a: {  	_ =	shalt  }
0x4b: {  	_ =	shalt  }
0x4c: {  	_ =	shalt  }
0x4d: {  	_ =	shalt  }
0x4e: {  	_ =	shalt  }
0x4f: {  	_ =	shalt  }
0x50: {  	_ =	shalt  }
0x51: {  	_ =	shalt  }
0x52: {  	_ =	shalt  }
0x53: {  	_ =	shalt  }
0x54: {  	_ =	shalt  }
0x55: {  	_ =	shalt  }
0x56: {  	_ =	shalt  }
0x57: {  	_ =	shalt  }
0x58: {  	_ =	shalt  }
0x59: {  	_ =	shalt  }
0x5a: {  	_ =	shalt  }
0x5b: {  	_ =	shalt  }
0x5c: {  	_ =	shalt  }
0x5d: {  	_ =	shalt  }
0x5e: {  	_ =	shalt  }
0x5f: {  	_ =	shalt  }
0x60: {  	_ =	shalt  }
0x61: {  	_ =	shalt  }
0x62: {  	_ =	shalt  }
0x63: {  	_ =	shalt  }
0x64: {  	_ =	shalt  }
0x65: {  	_ =	shalt  }
0x66: {  	_ =	shalt  }
0x67: {  	_ =	shalt  }
0x68: {  	_ =	shalt  }
0x69: {  	_ =	shalt  }
0x6a: {  	_ =	shalt  }
0x6b: {  	_ =	shalt  }
0x6c: {  	_ =	shalt  }
0x6d: {  	_ =	shalt  }
0x6e: {  	_ =	shalt  }
0x6f: {  	_ =	shalt  }
0x70: {  	_ =	shalt  }
0x71: {  	_ =	shalt  }
0x72: {  	_ =	shalt  }
0x73: {  	_ =	shalt  }
0x74: {  	_ =	shalt  }
0x75: {  	_ =	shalt  }
0x76: {  	_ =	shalt  }
0x77: {  	_ =	shalt  }
0x78: {  	_ =	shalt  }
0x79: {  	_ =	shalt  }
0x7a: {  	_ =	shalt  }
0x7b: {  	_ =	shalt  }
0x7c: {  	_ =	shalt  }
0x7d: {  	_ =	shalt  }
0x7e: {  	_ =	shalt  }
0x7f: {  	_ =	shalt  }
0x80: {  	_ =	shalt  }
0x81: {  	_ =	shalt  }
0x82: {  	_ =	shalt  }
0x83: {  	_ =	shalt  }
0x84: {  	_ =	shalt  }
0x85: {  	_ =	shalt  }
0x86: {  	_ =	shalt  }
0x87: {  	_ =	shalt  }
.Lfunc_end0:
.L_simem_size_0:
called_computation_lowered:
.L_overlay_start_0:
0x88: {  	s2 =	sld [smem:$0x3FD9]  }
0x89: {  	s3 =	sld [smem:$0x3FFE];
	_ =	sdelay $0x1  }
0x8a: {  	s1 =	srdreg.scid  }
0x8b: {  	s0 =	sand.u32 $0x1, s1  }
0x8c: {  	s16 =	sshll.u32 s0, $0xA;
	s2 =	sadd.s32 s3, s2  }
0x8d: {  	s2 =	sadd.s32 s2, s16  }
0x8e: {  	[smem:$0x3FC0] =	sst s2  }
0x8f: {  	_ = 	snop  }
0x90: {  	(tm) =	ssettm $0x1  }
0x91: {  	s17 =	sld [smem:$0x3FFB];
	_ =	sdelay $0x3  }
0x92: {  	_ =	strace s17  }
0x93: {  	s2 =	sld [smem:$0x3FFC];
	_ =	sdelay $0x3  }
0x94: {  	_ =	strace s2  }
0x95: {  	s2 =	sld [smem:$0x3FFD];
	_ =	sdelay $0x3  }
0x96: {  	_ =	strace s2  }
0x97: {  	_ =	strace $0x8FFFFFFF  }
0x98: {  	s18 =	sld [smem:$0x3FDB];
	_ =	sdelay $0x1  }
0x99: {  	s19 =	simm.s32 $_scs_section_size  }
0x9a: {  	s4 =	simm.s32 $_size__tile_overlayer_lowered;
	s5 =	simm.s32 $_tile_overlayer_lowered  }
0x9b: {  	s22 =	simm.s32 $0x1BFF;
	s21 =	sshll.u32 s5, $0x1;
	s2 =	sadd.s32 s19, s18  }
0x9c: {  	s6 =	simm.s32 $0x0;
	s20 =	sshll.u32 s4, $0x1;
	s4 =	sadd.s32 s21, s2  }
0x9d: {  	[timem:s6], [sflag:s22] =	dma.local [hbm:s4], s20  }
0x9e: {  	_ =	swait.ge [sflag:s22], s20  }
0x9f: {  	s3 =	ssub.s32 $0x0, s20;
	[sflag:s22] =	ssyncset.done $0x0  }
0xa0: {  	[sflag:s22] =	ssyncadd.s32 s3;
	_ =	sdelay $0x1  }
0xa1: {  	s23 =	simm.s32 $0x1B8B  }
0xa2: {  	_ =	swait.ge [sflag:s23], $0x1  }
0xa3: {  	[sflag:s23] =	ssyncset.done $0x0  }
0xa4: {  	s25 =	simm.s32 $0x1B8E;
	s24 =	sld [smem:$0x3FFE];
	[sflag:s23] =	ssyncadd.s32 $0xFFFFFFFF  }
0xa5: {  	s26 =	simm.s32 $execute0_lowered;
	[smem:$0x3FD2] =	sst s25  }
0xa6: {  	s4 =	sshll.u32 s26, $0x1;
	_ =	strace $0x80000046;
	[dreg:$0x1] =	wrdreg $0xFFFFFFFF  }
0xa7: {  	s28 =	simm.s32 $_size_execute0_lowered;
	s2 =	sadd.s32 s2, s4;
	[dreg:$0x0] =	wrdreg $0x0  }
0xa8: {  	s4 =	sshll.u32 s28, $0x1;
	[dreg:$0x2] =	wrdreg s2  }
0xa9: {  	[dreg:$0x3] =	wrdreg s4  }
0xaa: {  	[dreg:$0x4] =	wrdreg $0xC0  }
0xab: {  	_ =	task [dreg:s6], $0x5FFFF  }
0xac: {  	[dreg:$0x1] =	wrdreg $0xFFFFFFFF  }
0xad: {  	[dreg:$0x0] =	wrdreg $0x60  }
0xae: {  	[dreg:$0x2] =	wrdreg s24  }
0xaf: {  	[dreg:$0x3] =	wrdreg $0x9  }
0xb0: {  	_ =	task.clear_ibuf [dreg:s6], $0x4FFFF;
	_ =	strace $0x90000046  }
0xb1: {  	s29 =	simm.s32 $0x9;
	_ =	strace $0x80000048  }
0xb2: {  	_ =	swait.ge [sflag:s29], $0x1  }
0xb3: {  	[sflag:s29] =	ssyncadd.s32 $0xFFFFFFFF  }
0xb4: {  	_ =	strace $0x90000048  }
0xb5: {  	_ =	sfence  }
0xb6: {  	s30 =	sld [smem:$0x0];
	_ =	sdelay $0x2  }
0xb7: {  	s31 =	sshll.u32 s1, $0xD;
	s1 =	sshrl.u32 s1, $0x2  }
0xb8: {  	s3 =	sand.u32 $0x4000, s31;
	s1 =	sadd.s32 s1, s30  }
0xb9: {  	s0 =	sor.u32 s3, s0;
	s1 =	sshll.u32 s1, $0x11  }
0xba: {  	s0 =	sor.u32 s1, s0  }
0xbb: {  	s0 =	sadd.s32 $0x8F2B, s0  }
0xbc: {  	[sflag:s0] =	ssyncadd.remote.s32 $0x1  }
0xbd: {  	_ =	sfence.sel $0xFFFF  }
0xbe: {  	[dreg:$0x0] =	wrdreg $0xFFFFFFFF;
	(pc) =	sbr.abs _section_cstart, $3  }
0xbf: {  	[dreg:$0x1] =	wrdreg $0xFFFFFFFF  }
0xc0: {  	_ =	task.clear_ibuf [dreg:s6], $0x2FFFF;
	_ =	strace $0x9FFFFFFF  }
0xc1: {  	(tm) =	ssettm $0x7FFFFFFF  }
tec
execute0_lowered:
.L_overlay_start_1:
0x0: {  	(tag) =	ssettag $0x1  }
0x1: {  	s0 =	srdreg.scid  }
0x2: {  	s3 =	sand.u32 $0x1, s0;
	s0 =	stileid.u32  }
0x3: {  	s2 =	sshll.u32 s0, $0x1;
	s4 =	ssub.s32 $0x0, s3  }
0x4: {  	p0 =	sne.s32 s2, s4  }
.Ltmp0:
0x5: {  	_ = 	snop;
	(pc) =	sbr.rel @p0 .LBB2_9-.Ltmp0, $3  }
0x6: {  	_ =	sdelay $0x1  }
0x7: {  	s7 =	rddreg [dreg:$0x0]  }
0x8: {  	s1 =	rddreg [dreg:$0x1];
	_ =	strace $0x80000047  }
0x9: {  	s2 =	sadd.s32 $0x2600, s7;
	s8 =	ssub.s32 $0x2, s3  }
0xa: {  	s3 =	sadd.s32 $0x2800, s7;
	s4 =	sadd.s32 $0x2A00, s7;
	s5 =	sadd.s32 $0x2C00, s7  }
0xb: {  	s6 =	sadd.s32 $0x2E00, s7;
	s7 =	sadd.s32 $0x3200, s7;
	s9 =	sshrl.u32 s8, $0x1  }
0xc: {  	s10 =	simm.s32 $0x1;
	s11 =	simm.s32 $0x1800;
	s8 =	ssub.s32 s8, s9  }
0xd: {  	v0 =	vimm.s32 $0x0;
	v1 =	vimm.f32 $0.0e+00;
	v2 =	vlaneseq.u32;
	s12 =	simm.s32 $0x0;
	s9 =	simm.s32 $0x0;
	s8 =	smax.u32 s8, $0x1  }
.LBB2_2:
0xe: {  	s13 =	simm.s32 $0x40;
	s14 =	simm.s32 $0x0  }
.LBB2_3:
0xf: {  	p0 =	sne.s32 s13, $0x5FC0;
	[tilespmem:s14+$0x0] =	vst v0;
	s15 =	smov.u32 s13;
	s13 =	sadd.s32 $0x40, s13  }
.Ltmp1:
0x10: {  	[tilespmem:s14+$0x1800] =	vst v1;
	(pc) =	sbr.rel @p0 .LBB2_3-.Ltmp1, $2  }
0x11: {  	_ =	sdelay $0x2  }
0x12: {  	s14 =	sshra.s32 s15, $0x2  }
0x13: {  	[tilespmem:s14+$0x0] =	vst v0  }
0x14: {  	[tilespmem:s14+$0x1800] =	vst v1;
	s31 =	simm.s32 $0x0;
	s15 =	simm.s32 $0x3000  }
0x15: {  	[tilespmem:s15], [sflag:$0x1] =	stream.linear.gather [hbm4b:s2+s31], $0x800, $0x38;
	[tilespmem:$0x4000] =	vst v63  }
0x16: {  	_ =	swait.ge [sflag:s10], $0x800  }
0x17: {  	[sflag:s10] =	ssyncset.done $0x0  }
0x18: {  	s13 =	simm.s32 $0x3800;
	[sflag:s10] =	ssyncadd.s32 $0xFFFFF800  }
0x19: {  	[tilespmem:s13], [sflag:$0x1] =	stream.linear.gather [hbm4b:s4+s31], $0x800, $0x38;
	[tilespmem:$0x4000] =	vst v63  }
0x1a: {  	_ =	swait.ge [sflag:s10], $0x800  }
0x1b: {  	[sflag:s10] =	ssyncset.done $0x0  }
0x1c: {  	[sflag:s10] =	ssyncadd.s32 $0xFFFFF800  }
0x1d: {  	v3 =	vld [tilespmem:s15+$0x0];
	_ =	sdelay $0x6  }
0x1e: {  	v4 =	vor.u32 s31, v2  }
0x1f: {  	[tilespmem:v3+s9+$0x0] =	vst.idx.msk $0xffff, v4  }
0x20: {  	v4 =	vld [tilespmem:s13+$0x0];
	_ =	sdelay $0x4  }
0x21: {  	s14 =	simm.s32 $0x3010;
	[tilespmem:v3+s11+$0x0] =	vst.idx.msk $0xffff, v4  }
0x22: {  	s16 =	simm.s32 $0x20;
	s15 =	simm.s32 $0x10;
	v3 =	vld [tilespmem:s14+$0x0]  }
.LBB2_5:
0x23: {  	p0 =	sne.s32 s16, $0x7F0;
	_ =	sdelay $0x5  }
0x24: {  	v4 =	vor.u32 s15, v2;
	s15 =	smov.u32 s16  }
0x25: {  	s13 =	sadd.s32 $0x10, s13;
	[tilespmem:v3+s9+$0x0] =	vst.idx.msk $0xffff, v4  }
0x26: {  	v4 =	vld [tilespmem:s13+$0x0];
	_ =	sdelay $0x1  }
.Ltmp2:
0x27: {  	(pc) =	sbr.rel @p0 .LBB2_5-.Ltmp2, $3  }
0x28: {  	_ =	sdelay $0x1  }
0x29: {  	s14 =	sadd.s32 $0x10, s14;
	[tilespmem:v3+s11+$0x0] =	vst.idx.msk $0xffff, v4  }
0x2a: {  	s16 =	sadd.s32 $0x10, s16;
	v3 =	vld [tilespmem:s14+$0x0]  }
0x2b: {  	_ =	sdelay $0x6  }
0x2c: {  	v4 =	vor.u32 s15, v2  }
0x2d: {  	s13 =	sadd.s32 $0x10, s13;
	[tilespmem:v3+s9+$0x0] =	vst.idx.msk $0xffff, v4  }
0x2e: {  	v4 =	vld [tilespmem:s13+$0x0];
	_ =	sdelay $0x4  }
0x2f: {  	s14 =	simm.s32 $0x0;
	s31 =	simm.s32 $0x3000;
	[tilespmem:v3+s11+$0x0] =	vst.idx.msk $0xffff, v4  }
0x30: {  	[tilespmem:s31], [sflag:$0x1] =	stream.linear.gather [hbm4b:s3+s14], $0x800, $0x38;
	[tilespmem:$0x4000] =	vst v63  }
0x31: {  	_ =	swait.ge [sflag:s10], $0x800  }
0x32: {  	[sflag:s10] =	ssyncset.done $0x0  }
0x33: {  	s13 =	simm.s32 $0x3800;
	[sflag:s10] =	ssyncadd.s32 $0xFFFFF800  }
0x34: {  	[tilespmem:s13], [sflag:$0x1] =	stream.linear.gather [hbm4b:s5+s14], $0x800, $0x38;
	[tilespmem:$0x4000] =	vst v63  }
0x35: {  	_ =	swait.ge [sflag:s10], $0x800  }
0x36: {  	[sflag:s10] =	ssyncset.done $0x0  }
0x37: {  	[sflag:s10] =	ssyncadd.s32 $0xFFFFF800  }
0x38: {  	v3 =	vld [tilespmem:s31+$0x0];
	_ =	sdelay $0x6  }
0x39: {  	v4 =	vor.u32 s14, v2  }
0x3a: {  	[tilespmem:v3+s9+$0x0] =	vst.idx.msk $0xffff, v4  }
0x3b: {  	v4 =	vld [tilespmem:s13+$0x0];
	_ =	sdelay $0x4  }
0x3c: {  	s14 =	simm.s32 $0x3010;
	[tilespmem:v3+s11+$0x0] =	vst.idx.msk $0xffff, v4  }
0x3d: {  	s15 =	simm.s32 $0x10;
	s16 =	simm.s32 $0x20;
	v3 =	vld [tilespmem:s14+$0x0]  }
.LBB2_7:
0x3e: {  	p0 =	sne.s32 s16, $0x7F0;
	_ =	sdelay $0x5  }
0x3f: {  	v4 =	vor.u32 s15, v2;
	s15 =	smov.u32 s16  }
0x40: {  	s13 =	sadd.s32 $0x10, s13;
	[tilespmem:v3+s9+$0x0] =	vst.idx.msk $0xffff, v4  }
0x41: {  	v4 =	vld [tilespmem:s13+$0x0];
	_ =	sdelay $0x1  }
.Ltmp3:
0x42: {  	(pc) =	sbr.rel @p0 .LBB2_7-.Ltmp3, $3  }
0x43: {  	_ =	sdelay $0x1  }
0x44: {  	s14 =	sadd.s32 $0x10, s14;
	[tilespmem:v3+s11+$0x0] =	vst.idx.msk $0xffff, v4  }
0x45: {  	s16 =	sadd.s32 $0x10, s16;
	v3 =	vld [tilespmem:s14+$0x0]  }
0x46: {  	_ =	sdelay $0x6  }
0x47: {  	v4 =	vor.u32 s15, v2  }
0x48: {  	s13 =	sadd.s32 $0x10, s13;
	[tilespmem:v3+s9+$0x0] =	vst.idx.msk $0xffff, v4  }
0x49: {  	v4 =	vld [tilespmem:s13+$0x0];
	_ =	sdelay $0x4  }
0x4a: {  	[tilespmem:v3+s11+$0x0] =	vst.idx.msk $0xffff, v4  }
0x4b: {  	[hbm4b:s6+s9] =	stream.linear.scatter [tilespmem:s9], [sflag:$0x1], $0x1800, $0x38;
	[tilespmem:$0x4000] =	vst v63  }
0x4c: {  	s12 =	sadd.s32 $0x1, s12;
	_ =	swait.ge [sflag:s10], $0x1800  }
0x4d: {  	p0 =	sne.s32 s12, s8;
	[sflag:s10] =	ssyncset.done $0x0  }
.Ltmp4:
0x4e: {  	[sflag:s10] =	ssyncadd.s32 $0xFFFFE800;
	(pc) =	sbr.rel @p0 .LBB2_2-.Ltmp4, $4  }
0x4f: {  	[hbm4b:s7+s9] =	stream.linear.scatter [tilespmem:s11], [sflag:$0x1], $0x1800, $0x38;
	[tilespmem:$0x4000] =	vst v63  }
0x50: {  	_ =	swait.ge [sflag:s10], $0x1800  }
0x51: {  	[sflag:s10] =	ssyncset.done $0x0  }
0x52: {  	[sflag:s10] =	ssyncadd.s32 $0xFFFFE800  }
.LBB2_9:
0x53: {  	_ =	sfence.sel $0x180000  }
0x54: {  	[bflag:$0x0] =	sbarrier.arrive $0xFFFF  }
0x55: {  	p0 =	sne.s32 s0, $0x0;
	_ =	strace $0x90000047  }
0x56: {  	s0 =	sadd.s32 @!p0 $0x100000, s1;
	[bflag:$0x2] =	sbarrier.arrive $0xFFFF  }
0x57: {  	[sflag:s0] =	ssyncadd.tile.s32 @!p0 $0x1;
	_ =	shalt  }
.Lfunc_end2:
_tile_overlayer_lowered:
.L_overlay_start_2:
0x58: {  	(tag) =	ssettag $0x2  }
0x59: {  	s0 =	rddreg [dreg:$0x0];
	s2 =	stileid.u32  }
0x5a: {  	s1 =	rddreg [dreg:$0x1];
	p0 =	sne.s32 s2, $0x0  }
0x5b: {  	s3 =	rddreg [dreg:$0x2];
	[bflag:$0x3] =	sbarrier.arrive $0xFFFF;
	s2 =	simm.s32 @!p0 $0x1C01  }
0x5c: {  	[timem:s3], [sflag:s2] =	dma.local @!p0 [hbm:s0], s1  }
0x5d: {  	s0 =	simm.s32 @!p0 $0x1  }
0x5e: {  	_ =	swait.ge @!p0 [sflag:s0], s1  }
0x5f: {  	s1 =	ssub.s32 @!p0 $0x0, s1;
	[sflag:s0] =	ssyncset.done @!p0 $0x0  }
0x60: {  	[sflag:s0] =	ssyncadd.s32 @!p0 s1  }
0x61: {  	[bflag:$0x3] =	sbarrier.arrive $0xFFFF  }
0x62: {  	_ =	shalt  }

</sc_bundles>
